<compile_context>
chip_gen: v7x
topology: tpu7x:2x2x1
jax: 0.10.2.dev20260603
libtpu: 0.0.44.dev20260713+nightly
codegen_flags: <defaults>
</compile_context>

<pallas_src>
import functools

import jax
import jax.numpy as jnp
from jax import lax
from jax.experimental import pallas as pl
from jax.experimental.pallas import tpu as pltpu
from jax.experimental.pallas import tpu_sc as plsc

N, P, C, T = 16, 16384, 80, 50
CHP = 2048
NCH = P // CHP
PBF = 4096
KB = P // PBF
PC = P * C


def _neg_focal(x):
    u = jnp.exp(jnp.minimum(x, 60.0))
    a = 1.0 + u
    s = u * pl.reciprocal(a, approx=True)
    return 0.75 * jnp.log(a) * s * s


def _pos_focal(x):
    u = jnp.exp(jnp.minimum(-x, 60.0))
    a = 1.0 + u
    s = u / a
    return 0.25 * jnp.log(a) * s * s


def _balanced_l1(diff):
    alpha, gamma, beta = 0.5, 1.5, 0.11
    b = 19.085536923187668
    small = alpha / b * (b * diff + 1.0) * jnp.log(b * diff / beta + 1.0) - alpha * diff
    big = gamma * diff + gamma / b - alpha * beta
    return jnp.where(diff < beta, small, big)


def _match_kernel(loc_ref, priors_ref, tgt_ref, tgt_t_ref,
                  lsum_ref, npos_ref, meta_ref, idx_ref, bt_ref):
    n = pl.program_id(0)
    tref = tgt_ref[0]
    ax1 = tref[:, 0:1]
    ay1 = tref[:, 1:2]
    ax2 = tref[:, 2:3]
    ay2 = tref[:, 3:4]
    area_a = (ax2 - ax1) * (ay2 - ay1)
    iota_t = jax.lax.broadcasted_iota(jnp.int32, (T, CHP), 0).astype(jnp.float32)

    def pass1(i, carry):
        rmax, bpi = carry
        base = i * CHP
        cx = priors_ref[0:1, pl.ds(base, CHP)]
        cy = priors_ref[1:2, pl.ds(base, CHP)]
        w = priors_ref[2:3, pl.ds(base, CHP)]
        h = priors_ref[3:4, pl.ds(base, CHP)]
        bx1 = cx - 0.5 * w
        by1 = cy - 0.5 * h
        bx2 = cx + 0.5 * w
        by2 = cy + 0.5 * h
        iw = jnp.maximum(jnp.minimum(ax2, bx2) - jnp.maximum(ax1, bx1), 0.0)
        ih = jnp.maximum(jnp.minimum(ay2, by2) - jnp.maximum(ay1, by1), 0.0)
        inter = iw * ih
        ov = inter * pl.reciprocal(area_a + w * h - inter, approx=True)

        bto0 = jnp.max(ov, axis=0, keepdims=True)
        bti0 = jnp.min(jnp.where(ov == bto0, iota_t, float(T)),
                       axis=0, keepdims=True)
        bt_ref[0:1, pl.ds(base, CHP)] = bto0
        bt_ref[1:2, pl.ds(base, CHP)] = bti0

        iota_p = (jax.lax.broadcasted_iota(jnp.int32, (T, CHP), 1).astype(jnp.float32)
                  + base.astype(jnp.float32))
        cmax = jnp.max(ov, axis=1, keepdims=True)
        cbpi = jnp.min(jnp.where(ov == cmax, iota_p, float(P)),
                       axis=1, keepdims=True)
        take = cmax > rmax
        return jnp.maximum(rmax, cmax), jnp.where(take, cbpi, bpi)

    rmax0 = jnp.full((T, 1), -1.0, jnp.float32)
    bpi0 = jnp.zeros((T, 1), jnp.float32)
    _, bpi = jax.lax.fori_loop(0, NCH, pass1, (rmax0, bpi0))

    tref_t = tgt_t_ref[0]

    def pass2(i, carry):
        lsum, npos = carry
        base = i * CHP
        s_bto = bt_ref[0:1, pl.ds(base, CHP)]
        s_bti = bt_ref[1:2, pl.ds(base, CHP)]
        iota_p = (jax.lax.broadcasted_iota(jnp.int32, (T, CHP), 1).astype(jnp.float32)
                  + base.astype(jnp.float32))
        ft = jnp.max(jnp.where(bpi == iota_p, iota_t, -1.0),
                     axis=0, keepdims=True)
        forced = ft >= 0.0
        bto = jnp.where(forced, 2.0, s_bto)
        bti = jnp.where(forced, ft, s_bti)

        onehot = (iota_t == bti).astype(jnp.float32)
        g = jax.lax.dot_general(tref_t, onehot, (((1,), (0,)), ((), ())),
                                preferred_element_type=jnp.float32)
        gx1 = g[0:1, :]
        gy1 = g[1:2, :]
        gx2 = g[2:3, :]
        gy2 = g[3:4, :]
        glab = g[4:5, :]

        posf = (bto >= 0.5).astype(jnp.float32)
        ignf = ((bto >= 0.4) & (bto < 0.5)).astype(jnp.float32)
        neg = bto < 0.4
        conf_t = jnp.where(neg, 0.0, glab + 1.0)

        cx = priors_ref[0:1, pl.ds(base, CHP)]
        cy = priors_ref[1:2, pl.ds(base, CHP)]
        w = priors_ref[2:3, pl.ds(base, CHP)]
        h = priors_ref[3:4, pl.ds(base, CHP)]
        ecx = ((gx1 + gx2) * 0.5 - cx) / (0.1 * w)
        ecy = ((gy1 + gy2) * 0.5 - cy) / (0.1 * h)
        ew = jnp.log((gx2 - gx1) / w) * 5.0
        eh = jnp.log((gy2 - gy1) / h) * 5.0
        ll = (_balanced_l1(jnp.abs(loc_ref[0, 0:1, pl.ds(base, CHP)] - ecx))
              + _balanced_l1(jnp.abs(loc_ref[0, 1:2, pl.ds(base, CHP)] - ecy))
              + _balanced_l1(jnp.abs(loc_ref[0, 2:3, pl.ds(base, CHP)] - ew))
              + _balanced_l1(jnp.abs(loc_ref[0, 3:4, pl.ds(base, CHP)] - eh)))

        meta_ref[0, 0:1, pl.ds(base, CHP)] = posf
        meta_ref[0, 1:2, pl.ds(base, CHP)] = ignf
        meta_ref[0, 2:3, pl.ds(base, CHP)] = conf_t
        pglob = jax.lax.broadcasted_iota(jnp.int32, (1, CHP), 1) + base
        gidx = n * (C * P) + (conf_t.astype(jnp.int32) - 1) * P + pglob
        idx_ref[0, 0:1, pl.ds(base, CHP)] = jnp.maximum(gidx, 0)

        lsum = lsum + jnp.sum(ll * posf, keepdims=True)
        npos = npos + jnp.sum(posf, keepdims=True)
        return lsum, npos

    z = jnp.zeros((1, 1), jnp.float32)
    lsum, npos = jax.lax.fori_loop(0, NCH, pass2, (z, z))
    lsum_ref[0, :, :] = lsum
    npos_ref[0, :, :] = npos


def _matching_call(loc_t, priors_t, targets, targets_t, interpret=False):
    return pl.pallas_call(
        _match_kernel,
        grid=(N,),
        in_specs=[
            pl.BlockSpec((1, 4, P), lambda n: (n, 0, 0)),
            pl.BlockSpec((4, P), lambda n: (0, 0)),
            pl.BlockSpec((1, T, 5), lambda n: (n, 0, 0)),
            pl.BlockSpec((1, 5, T), lambda n: (n, 0, 0)),
        ],
        out_specs=[
            pl.BlockSpec((1, 1, 1), lambda n: (n, 0, 0)),
            pl.BlockSpec((1, 1, 1), lambda n: (n, 0, 0)),
            pl.BlockSpec((1, 3, P), lambda n: (n, 0, 0)),
            pl.BlockSpec((1, 1, P), lambda n: (n, 0, 0)),
        ],
        out_shape=[
            jax.ShapeDtypeStruct((N, 1, 1), jnp.float32),
            jax.ShapeDtypeStruct((N, 1, 1), jnp.float32),
            jax.ShapeDtypeStruct((N, 3, P), jnp.float32),
            jax.ShapeDtypeStruct((N, 1, P), jnp.int32),
        ],
        scratch_shapes=[pltpu.VMEM((8, P), jnp.float32)],
        interpret=interpret,
    )(loc_t, priors_t, targets, targets_t)


def _sc_gather_call(conf_flat, idx_flat):
    info = plsc.get_sparse_core_info()
    nc, ns = info.num_cores, info.num_subcores
    nw = nc * ns
    b_per_w = (N * P) // nw
    mesh = plsc.VectorSubcoreMesh(core_axis_name="c", subcore_axis_name="s")

    @functools.partial(
        pl.kernel, mesh=mesh,
        out_type=jax.ShapeDtypeStruct((N * P,), jnp.float32),
        scratch_types=[
            pltpu.VMEM((b_per_w,), jnp.int32),
            pltpu.VMEM((b_per_w,), jnp.float32),
            pltpu.SemaphoreType.DMA,
        ],
    )
    def _sc(table_hbm, idx_hbm, out_hbm, idx_v, rows_v, sem):
        wid = lax.axis_index("s") * nc + lax.axis_index("c")
        base = wid * b_per_w
        pltpu.sync_copy(idx_hbm.at[pl.ds(base, b_per_w)], idx_v)
        pltpu.async_copy(table_hbm.at[idx_v], rows_v, sem).wait()
        pltpu.sync_copy(rows_v, out_hbm.at[pl.ds(base, b_per_w)])

    return _sc(conf_flat, idx_flat)


def _focal_kernel(conf_ref, xs_ref, meta_ref, csum_ref):
    pb = pl.program_id(1)
    xt = conf_ref[0]
    csum = jnp.sum(_neg_focal(xt), keepdims=True)

    posf = meta_ref[0, 0:1, :]
    ignf = meta_ref[0, 1:2, :]
    xs = xs_ref[0, 0:1, :]
    spneg = _neg_focal(xs)
    corr = posf * (_pos_focal(xs) - spneg) - ignf * spneg
    csum = csum + jnp.sum(corr, keepdims=True)

    @pl.when(pb == 0)
    def _init():
        csum_ref[0, :, :] = jnp.zeros((1, 1), jnp.float32)

    csum_ref[0, :, :] += csum


def _focal_call(conf_t, xs_r, meta, interpret=False):
    return pl.pallas_call(
        _focal_kernel,
        grid=(N, KB),
        in_specs=[
            pl.BlockSpec((1, C, PBF), lambda n, pb: (n, 0, pb)),
            pl.BlockSpec((1, 1, PBF), lambda n, pb: (n, 0, pb)),
            pl.BlockSpec((1, 3, PBF), lambda n, pb: (n, 0, pb)),
        ],
        out_specs=pl.BlockSpec((1, 1, 1), lambda n, pb: (n, 0, 0)),
        out_shape=jax.ShapeDtypeStruct((N, 1, 1), jnp.float32),
        interpret=interpret,
    )(conf_t, xs_r, meta)


@jax.jit
def kernel(loc, conf, priors, targets):
    loc_t = jnp.transpose(loc, (0, 2, 1))
    conf_t = jnp.transpose(conf, (0, 2, 1))
    priors_t = jnp.transpose(priors, (1, 0))
    targets_t = jnp.transpose(targets, (0, 2, 1))
    lsum, npos, meta, idx = _matching_call(loc_t, priors_t, targets, targets_t)
    xs = _sc_gather_call(conf_t.reshape(-1), idx.reshape(-1))
    csum = _focal_call(conf_t, xs.reshape(N, 1, P), meta)
    num_pos = jnp.maximum(jnp.sum(npos), 1.0)
    return jnp.sum(lsum) / num_pos, jnp.sum(csum) / num_pos

# --- scband reference (transcript-rebuilt; emitter-appended) ---
"""Pipeline reference for scband-multi-box-loss-8340826488891 (READ-ONLY COPY).

The authoritative reference and input builder live on the scoring server;
editing this copy changes nothing except your own understanding.
"""

import jax, jax.numpy as jnp
import numpy as np


def point_form(boxes):
    return jnp.concatenate([boxes[:, :2] - boxes[:, 2:] / 2.0,
                            boxes[:, :2] + boxes[:, 2:] / 2.0], axis=1)


def jaccard(box_a, box_b):
    max_xy = jnp.minimum(box_a[:, None, 2:], box_b[None, :, 2:])
    min_xy = jnp.maximum(box_a[:, None, :2], box_b[None, :, :2])
    inter_wh = jnp.clip(max_xy - min_xy, 0.0, None)
    inter = inter_wh[..., 0] * inter_wh[..., 1]
    area_a = ((box_a[:, 2] - box_a[:, 0]) * (box_a[:, 3] - box_a[:, 1]))[:, None]
    area_b = ((box_b[:, 2] - box_b[:, 0]) * (box_b[:, 3] - box_b[:, 1]))[None, :]
    return inter / (area_a + area_b - inter)


def match_single(truths, labels, priors_pf):
    overlaps = jaccard(truths, priors_pf)            # [T, P]
    best_prior_idx = jnp.argmax(overlaps, axis=1)    # [T]
    best_truth_overlap = jnp.max(overlaps, axis=0)   # [P]
    best_truth_idx = jnp.argmax(overlaps, axis=0)    # [P]
    best_truth_overlap = best_truth_overlap.at[best_prior_idx].set(2.0)
    best_truth_idx = best_truth_idx.at[best_prior_idx].set(
        jnp.arange(truths.shape[0], dtype=best_truth_idx.dtype))
    matches = truths[best_truth_idx]                 # [P, 4] point form
    conf = labels[best_truth_idx] + 1                # [P]
    return matches, conf, best_truth_overlap


def encode(matched, priors):
    # matched: point form, priors: center-size form, variances [0.1, 0.2]
    g_cxcy = (matched[:, :2] + matched[:, 2:]) / 2.0 - priors[:, :2]
    g_cxcy = g_cxcy / (0.1 * priors[:, 2:])
    g_wh = (matched[:, 2:] - matched[:, :2]) / priors[:, 2:]
    g_wh = jnp.log(g_wh) / 0.2
    return jnp.concatenate([g_cxcy, g_wh], axis=1)


def balanced_l1(pred, target):
    alpha, gamma, beta = 0.5, 1.5, 0.11
    b = np.e ** (gamma / alpha) - 1.0
    diff = jnp.abs(pred - target)
    return jnp.where(
        diff < beta,
        alpha / b * (b * diff + 1.0) * jnp.log(b * diff / beta + 1.0) - alpha * diff,
        gamma * diff + gamma / b - alpha * beta)


def focal_loss(logits, targets, mask):
    p = jax.nn.sigmoid(logits)
    pos_inds = (targets == 1.0).astype(jnp.float32)
    neg_inds = (targets < 1.0).astype(jnp.float32)
    pos_loss = jnp.log(p) * jnp.power(1.0 - p, 2.0) * pos_inds * 0.25
    neg_loss = jnp.log(1.0 - p) * jnp.power(p, 2.0) * neg_inds * 0.75
    loss = -(pos_loss + neg_loss) * mask
    return loss.sum() / jnp.maximum(pos_inds.sum(), 1.0)


def multibox_loss(loc, conf, priors, targets):
    N, P, C = conf.shape
    truths = targets[:, :, :4]
    labels = targets[:, :, 4].astype(jnp.int32)
    priors_pf = point_form(priors)
    loc_t, conf_t, overlap_t = jax.vmap(
        lambda tr, lb: match_single(tr, lb, priors_pf))(truths, labels)
    pos = overlap_t >= 0.5
    ign = (overlap_t < 0.5) & (overlap_t >= 0.4)
    neg = overlap_t < 0.4
    priors_b = jnp.broadcast_to(priors[None], (N, P, 4))
    encoded = encode(loc_t.reshape(-1, 4), priors_b.reshape(-1, 4)).reshape(N, P, 4)
    posf = pos.astype(jnp.float32)
    num_pos = jnp.maximum(posf.sum(), 1.0)
    loss_l = (balanced_l1(loc, encoded) * posf[..., None]).sum() / num_pos
    conf_t = jnp.where(neg, 0, conf_t)
    classes = jnp.arange(1, C + 1, dtype=jnp.int32)
    batch_label = (conf_t[..., None] == classes[None, None, :]).astype(jnp.float32)
    batch_label = jnp.where(ign[..., None], -batch_label, batch_label)
    mask = (batch_label >= 0.0).astype(jnp.float32)
    loss_c = focal_loss(conf, batch_label, mask)
    return loss_l, loss_c


def setup_inputs(seed: int = 0) -> dict:
    key = jax.random.key(seed)
    ks = jax.random.split(key, 7)
    N, P, C, T = 16, 16384, 80, 50
    loc = jax.random.normal(ks[0], (N, P, 4), dtype=jnp.float32)
    conf = jax.random.normal(ks[1], (N, P, C), dtype=jnp.float32)
    p_cxy = jax.random.uniform(ks[2], (P, 2), minval=0.05, maxval=0.95)
    p_wh = jax.random.uniform(ks[3], (P, 2), minval=0.05, maxval=0.4)
    priors = jnp.concatenate([p_cxy, p_wh], axis=1).astype(jnp.float32)
    t_cxy = jax.random.uniform(ks[4], (N, T, 2), minval=0.1, maxval=0.9)
    t_wh = jax.random.uniform(ks[5], (N, T, 2), minval=0.05, maxval=0.35)
    xmin = jnp.clip(t_cxy - t_wh / 2.0, 0.0, 1.0)
    xmax = jnp.clip(t_cxy + t_wh / 2.0, 0.0, 1.0)
    labels = jax.random.randint(ks[6], (N, T, 1), 0, C).astype(jnp.float32)
    targets = jnp.concatenate([xmin, xmax, labels], axis=2).astype(jnp.float32)
    return {"loc": loc, "conf": conf, "priors": priors, "targets": targets}


def reference(loc, conf, priors, targets):
    return multibox_loss(loc, conf, priors, targets)

if __name__ == "__main__":
    import jax
    _d = setup_inputs()
    print(jax.jit(kernel)(*tuple(_d.values())))

</pallas_src>

<mosaic_0001>
#map = affine_map<(d0, d1) -> (0)>
module attributes {stable_mosaic.version = 14 : i64} {
  func.func @_sc(%arg0: i32, %arg1: i32, %arg2: memref<20971520xf32, #tpu.memory_space<hbm>>, %arg3: memref<262144xi32, #tpu.memory_space<hbm>>, %arg4: memref<262144xf32, #tpu.memory_space<hbm>>, %arg5: memref<8192xi32, #tpu.memory_space<vmem>>, %arg6: memref<8192xf32, #tpu.memory_space<vmem>>, %arg7: memref<!tpu.dma_semaphore, #tpu.memory_space<semaphore_mem>>) attributes {dimension_semantics = [#tpu.dimension_semantics<core_parallel>, #tpu.dimension_semantics<subcore_parallel>], iteration_bounds = array<i64: 2, 16>, scalar_prefetch = 0 : i64, scratch_operands = 3 : i64, tpu.core_type = #tpu.core_type<sc_vector_subcore>, window_params = [{transform_indices = #map}, {transform_indices = #map}, {transform_indices = #map}]} {
    %mul3A = arith.constant 2 : i32
    %mul3A_0 = arith.muli %arg1, %mul3A : i32
    %add3A = arith.addi %mul3A_0, %arg0 : i32
    %mul3A_1 = arith.constant 8192 : i32
    %mul3A_2 = arith.muli %add3A, %mul3A_1 : i32
    "tpu.region"() ({
      %run_scoped3A = tpu.sem_alloc : memref<!tpu.dma_semaphore, #tpu.memory_space<semaphore_mem>>
      %dma_start3A_5 = tpu.memref_slice %arg3[%mul3A_2] : memref<262144xi32, #tpu.memory_space<hbm>> -> memref<8192xi32, #tpu.memory_space<hbm>>
      %dma_start3A_6 = tpu.memref_slice %arg3[%mul3A_2] : memref<262144xi32, #tpu.memory_space<hbm>> -> memref<8192xi32, #tpu.memory_space<hbm>>
      tpu.enqueue_dma source(%dma_start3A_6 : memref<8192xi32, #tpu.memory_space<hbm>>) target(%arg5 : memref<8192xi32, #tpu.memory_space<vmem>>) target_semaphore(%run_scoped3A : memref<!tpu.dma_semaphore, #tpu.memory_space<semaphore_mem>>)
      %dma_wait3A_7 = tpu.memref_slice %arg3[%mul3A_2] : memref<262144xi32, #tpu.memory_space<hbm>> -> memref<8192xi32, #tpu.memory_space<hbm>>
      %dma_wait3A_8 = tpu.memref_slice %arg3[%mul3A_2] : memref<262144xi32, #tpu.memory_space<hbm>> -> memref<8192xi32, #tpu.memory_space<hbm>>
      tpu.wait_dma2 semaphore(%run_scoped3A : memref<!tpu.dma_semaphore, #tpu.memory_space<semaphore_mem>>) src(%dma_wait3A_8 : memref<8192xi32, #tpu.memory_space<hbm>>) dst(%arg5 : memref<8192xi32, #tpu.memory_space<vmem>>)
      tpu.yield
    }) : () -> ()
    %dma_start3A = arith.constant 0 : i32
    %dma_start3A_3 = tpu.memref_slice %arg2[%dma_start3A] : memref<20971520xf32, #tpu.memory_space<hbm>> -> memref<20971520xf32, #tpu.memory_space<hbm>>
    tpu.enqueue_indirect_dma source(%dma_start3A_3 : memref<20971520xf32, #tpu.memory_space<hbm>>) target(%arg6 : memref<8192xf32, #tpu.memory_space<vmem>>) offsets(%arg5 : memref<8192xi32, #tpu.memory_space<vmem>>) semaphore(%arg7 : memref<!tpu.dma_semaphore, #tpu.memory_space<semaphore_mem>>)
    %dma_wait3A = arith.constant 0 : i32
    %dma_wait3A_4 = tpu.memref_slice %arg2[%dma_wait3A] : memref<20971520xf32, #tpu.memory_space<hbm>> -> memref<20971520xf32, #tpu.memory_space<hbm>>
    tpu.wait_indirect_dma semaphore(%arg7 : memref<!tpu.dma_semaphore, #tpu.memory_space<semaphore_mem>>) src(%dma_wait3A_4 : memref<20971520xf32, #tpu.memory_space<hbm>>) dst(%arg6 : memref<8192xf32, #tpu.memory_space<vmem>>)
    "tpu.region"() ({
      %run_scoped3A = tpu.sem_alloc : memref<!tpu.dma_semaphore, #tpu.memory_space<semaphore_mem>>
      %dma_start3A_5 = tpu.memref_slice %arg4[%mul3A_2] : memref<262144xf32, #tpu.memory_space<hbm>> -> memref<8192xf32, #tpu.memory_space<hbm>>
      %dma_start3A_6 = tpu.memref_slice %arg4[%mul3A_2] : memref<262144xf32, #tpu.memory_space<hbm>> -> memref<8192xf32, #tpu.memory_space<hbm>>
      tpu.enqueue_dma source(%arg6 : memref<8192xf32, #tpu.memory_space<vmem>>) target(%dma_start3A_6 : memref<8192xf32, #tpu.memory_space<hbm>>) target_semaphore(%run_scoped3A : memref<!tpu.dma_semaphore, #tpu.memory_space<semaphore_mem>>)
      %dma_wait3A_7 = tpu.memref_slice %arg4[%mul3A_2] : memref<262144xf32, #tpu.memory_space<hbm>> -> memref<8192xf32, #tpu.memory_space<hbm>>
      %dma_wait3A_8 = tpu.memref_slice %arg4[%mul3A_2] : memref<262144xf32, #tpu.memory_space<hbm>> -> memref<8192xf32, #tpu.memory_space<hbm>>
      tpu.wait_dma2 semaphore(%run_scoped3A : memref<!tpu.dma_semaphore, #tpu.memory_space<semaphore_mem>>) src(%arg6 : memref<8192xf32, #tpu.memory_space<vmem>>) dst(%dma_wait3A_8 : memref<8192xf32, #tpu.memory_space<hbm>>)
      tpu.yield
    }) : () -> ()
    return
  }
}

module attributes {stable_mosaic.version = 14 : i64} {
  func.func @_focal_kernel(%arg0: i32, %arg1: i32, %arg2: memref<1x80x4096xf32, #tpu.memory_space<vmem>>, %arg3: memref<1x1x4096xf32, #tpu.memory_space<vmem>>, %arg4: memref<1x3x4096xf32, #tpu.memory_space<vmem>>, %arg5: memref<1x1x1xf32, #tpu.memory_space<vmem>>) attributes {dimension_semantics = [#tpu.dimension_semantics<arbitrary>, #tpu.dimension_semantics<arbitrary>], iteration_bounds = array<i64: 16, 4>, scalar_prefetch = 0 : i64, scratch_operands = 0 : i64, tpu.core_type = #tpu.core_type<tc>, window_params = [{transform_indices = @transform_0, window_bounds = array<i64: 1, 80, 4096>}, {transform_indices = @transform_1, window_bounds = array<i64: 1, 1, 4096>}, {transform_indices = @transform_2, window_bounds = array<i64: 1, 3, 4096>}, {transform_indices = @transform_3, window_bounds = array<i64: 1, 1, 1>}]} {
    %get3A = arith.constant 0 : index
    %get3A_0 = arith.constant 0 : index
    %get3A_1 = arith.constant 0 : index
    %get3A_2 = vector.load %arg2[%get3A, %get3A_0, %get3A_1] : memref<1x80x4096xf32, #tpu.memory_space<vmem>>, vector<1x80x4096xf32>
    %get3A_3 = vector.shape_cast %get3A_2 : vector<1x80x4096xf32> to vector<80x4096xf32>
    %min3A = arith.constant 6.000000e+01 : f32
    %min3A_4 = vector.broadcast %min3A : f32 to vector<80x4096xf32>
    %min3A_5 = arith.minimumf %get3A_3, %min3A_4 : vector<80x4096xf32>
    %exp3A = math.exp %min3A_5 : vector<80x4096xf32>
    %add3A = arith.constant 1.000000e+00 : f32
    %add3A_6 = vector.broadcast %add3A : f32 to vector<80x4096xf32>
    %add3A_7 = arith.addf %add3A_6, %exp3A : vector<80x4096xf32>
    %reciprocal3A = tpu.reciprocal %add3A_7 {approx = true} : vector<80x4096xf32> -> vector<80x4096xf32>
    %mul3A = arith.mulf %exp3A, %reciprocal3A : vector<80x4096xf32>
    %log3A = math.log %add3A_7 : vector<80x4096xf32>
    %mul3A_8 = arith.constant 7.500000e-01 : f32
    %mul3A_9 = vector.broadcast %mul3A_8 : f32 to vector<80x4096xf32>
    %mul3A_10 = arith.mulf %mul3A_9, %log3A : vector<80x4096xf32>
    %mul3A_11 = arith.mulf %mul3A_10, %mul3A : vector<80x4096xf32>
    %mul3A_12 = arith.mulf %mul3A_11, %mul3A : vector<80x4096xf32>
    %reduce_sum3A = vector.shape_cast %mul3A_12 : vector<80x4096xf32> to vector<1x80x4096xf32>
    %reduce_sum3A_13 = arith.constant dense<0.000000e+00> : vector<1xf32>
    %reduce_sum3A_14 = vector.multi_reduction <add>, %reduce_sum3A, %reduce_sum3A_13 [1, 2] : vector<1x80x4096xf32> to vector<1xf32>
    %reduce_sum3A_15 = vector.shape_cast %reduce_sum3A_14 : vector<1xf32> to vector<1x1x1xf32>
    %reduce_sum3A_16 = vector.extract %reduce_sum3A_15[0, 0, 0] : f32 from vector<1x1x1xf32>
    %broadcast_in_dim3A = vector.broadcast %reduce_sum3A_16 : f32 to vector<1x1xf32>
    %get3A_17 = arith.constant 0 : index
    %get3A_18 = arith.constant 0 : index
    %get3A_19 = arith.constant 0 : index
    %get3A_20 = vector.load %arg4[%get3A_17, %get3A_18, %get3A_19] : memref<1x3x4096xf32, #tpu.memory_space<vmem>>, vector<1x1x4096xf32>
    %get3A_21 = vector.shape_cast %get3A_20 : vector<1x1x4096xf32> to vector<1x4096xf32>
    %get3A_22 = arith.constant 0 : index
    %get3A_23 = arith.constant 1 : index
    %get3A_24 = arith.constant 0 : index
    %get3A_25 = vector.load %arg4[%get3A_22, %get3A_23, %get3A_24] : memref<1x3x4096xf32, #tpu.memory_space<vmem>>, vector<1x1x4096xf32>
    %get3A_26 = vector.shape_cast %get3A_25 : vector<1x1x4096xf32> to vector<1x4096xf32>
    %get3A_27 = arith.constant 0 : index
    %get3A_28 = arith.constant 0 : index
    %get3A_29 = arith.constant 0 : index
    %get3A_30 = vector.load %arg3[%get3A_27, %get3A_28, %get3A_29] : memref<1x1x4096xf32, #tpu.memory_space<vmem>>, vector<1x1x4096xf32>
    %get3A_31 = vector.shape_cast %get3A_30 : vector<1x1x4096xf32> to vector<1x4096xf32>
    %min3A_32 = arith.constant 6.000000e+01 : f32
    %min3A_33 = vector.broadcast %min3A_32 : f32 to vector<1x4096xf32>
    %min3A_34 = arith.minimumf %get3A_31, %min3A_33 : vector<1x4096xf32>
    %exp3A_35 = math.exp %min3A_34 : vector<1x4096xf32>
    %add3A_36 = arith.constant 1.000000e+00 : f32
    %add3A_37 = vector.broadcast %add3A_36 : f32 to vector<1x4096xf32>
    %add3A_38 = arith.addf %add3A_37, %exp3A_35 : vector<1x4096xf32>
    %reciprocal3A_39 = tpu.reciprocal %add3A_38 {approx = true} : vector<1x4096xf32> -> vector<1x4096xf32>
    %mul3A_40 = arith.mulf %exp3A_35, %reciprocal3A_39 : vector<1x4096xf32>
    %log3A_41 = math.log %add3A_38 : vector<1x4096xf32>
    %mul3A_42 = arith.constant 7.500000e-01 : f32
    %mul3A_43 = vector.broadcast %mul3A_42 : f32 to vector<1x4096xf32>
    %mul3A_44 = arith.mulf %mul3A_43, %log3A_41 : vector<1x4096xf32>
    %mul3A_45 = arith.mulf %mul3A_44, %mul3A_40 : vector<1x4096xf32>
    %mul3A_46 = arith.mulf %mul3A_45, %mul3A_40 : vector<1x4096xf32>
    %neg3A = arith.constant 0.000000e+00 : f32
    %neg3A_47 = vector.broadcast %neg3A : f32 to vector<1x4096xf32>
    %neg3A_48 = arith.subf %neg3A_47, %get3A_31 : vector<1x4096xf32>
    %min3A_49 = arith.constant 6.000000e+01 : f32
    %min3A_50 = vector.broadcast %min3A_49 : f32 to vector<1x4096xf32>
    %min3A_51 = arith.minimumf %neg3A_48, %min3A_50 : vector<1x4096xf32>
    %exp3A_52 = math.exp %min3A_51 : vector<1x4096xf32>
    %add3A_53 = arith.constant 1.000000e+00 : f32
    %add3A_54 = vector.broadcast %add3A_53 : f32 to vector<1x4096xf32>
    %add3A_55 = arith.addf %add3A_54, %exp3A_52 : vector<1x4096xf32>
    %div3A = arith.divf %exp3A_52, %add3A_55 : vector<1x4096xf32>
    %log3A_56 = math.log %add3A_55 : vector<1x4096xf32>
    %mul3A_57 = arith.constant 2.500000e-01 : f32
    %mul3A_58 = vector.broadcast %mul3A_57 : f32 to vector<1x4096xf32>
    %mul3A_59 = arith.mulf %mul3A_58, %log3A_56 : vector<1x4096xf32>
    %mul3A_60 = arith.mulf %mul3A_59, %div3A : vector<1x4096xf32>
    %mul3A_61 = arith.mulf %mul3A_60, %div3A : vector<1x4096xf32>
    %sub3A = arith.subf %mul3A_61, %mul3A_46 : vector<1x4096xf32>
    %mul3A_62 = arith.mulf %get3A_21, %sub3A : vector<1x4096xf32>
    %mul3A_63 = arith.mulf %get3A_26, %mul3A_46 : vector<1x4096xf32>
    %sub3A_64 = arith.subf %mul3A_62, %mul3A_63 : vector<1x4096xf32>
    %reduce_sum3A_65 = vector.shape_cast %sub3A_64 : vector<1x4096xf32> to vector<1x1x4096xf32>
    %reduce_sum3A_66 = arith.constant dense<0.000000e+00> : vector<1xf32>
    %reduce_sum3A_67 = vector.multi_reduction <add>, %reduce_sum3A_65, %reduce_sum3A_66 [1, 2] : vector<1x1x4096xf32> to vector<1xf32>
    %reduce_sum3A_68 = vector.shape_cast %reduce_sum3A_67 : vector<1xf32> to vector<1x1x1xf32>
    %reduce_sum3A_69 = vector.extract %reduce_sum3A_68[0, 0, 0] : f32 from vector<1x1x1xf32>
    %broadcast_in_dim3A_70 = vector.broadcast %reduce_sum3A_69 : f32 to vector<1x1xf32>
    %add3A_71 = arith.addf %broadcast_in_dim3A, %broadcast_in_dim3A_70 : vector<1x1xf32>
    %eq3A = arith.constant 0 : i32
    %eq3A_72 = arith.cmpi eq, %arg1, %eq3A : i32
    %convert_element_type3A = arith.extui %eq3A_72 : i1 to i32
    %cond3A = arith.constant 0 : i32
    %cond3A_73 = arith.cmpi ne, %convert_element_type3A, %cond3A : i32
    scf.if %cond3A_73 {
      %broadcast_in_dim3A_85 = arith.constant 0.000000e+00 : f32
      %broadcast_in_dim3A_86 = vector.broadcast %broadcast_in_dim3A_85 : f32 to vector<1x1xf32>
      %swap3A_87 = arith.constant 0 : index
      %swap3A_88 = arith.constant 0 : index
      %swap3A_89 = arith.constant 0 : index
      %swap3A_90 = vector.load %arg5[%swap3A_87, %swap3A_88, %swap3A_89] : memref<1x1x1xf32, #tpu.memory_space<vmem>>, vector<1x1x1xf32>
      %swap3A_91 = vector.shape_cast %swap3A_90 : vector<1x1x1xf32> to vector<1x1xf32>
      %swap3A_92 = vector.shape_cast %broadcast_in_dim3A_86 : vector<1x1xf32> to vector<1x1x1xf32>
      tpu.vector_store %arg5[%swap3A_87, %swap3A_88, %swap3A_89], %swap3A_92 {strides = array<i32>} : memref<1x1x1xf32, #tpu.memory_space<vmem>>, vector<1x1x1xf32>,
    } else {
    }
    %get3A_74 = arith.constant 0 : index
    %get3A_75 = arith.constant 0 : index
    %get3A_76 = arith.constant 0 : index
    %get3A_77 = vector.load %arg5[%get3A_74, %get3A_75, %get3A_76] : memref<1x1x1xf32, #tpu.memory_space<vmem>>, vector<1x1x1xf32>
    %get3A_78 = vector.shape_cast %get3A_77 : vector<1x1x1xf32> to vector<1x1xf32>
    %add3A_79 = arith.addf %get3A_78, %add3A_71 : vector<1x1xf32>
    %swap3A = arith.constant 0 : index
    %swap3A_80 = arith.constant 0 : index
    %swap3A_81 = arith.constant 0 : index
    %swap3A_82 = vector.load %arg5[%swap3A, %swap3A_80, %swap3A_81] : memref<1x1x1xf32, #tpu.memory_space<vmem>>, vector<1x1x1xf32>
    %swap3A_83 = vector.shape_cast %swap3A_82 : vector<1x1x1xf32> to vector<1x1xf32>
    %swap3A_84 = vector.shape_cast %add3A_79 : vector<1x1xf32> to vector<1x1x1xf32>
    tpu.vector_store %arg5[%swap3A, %swap3A_80, %swap3A_81], %swap3A_84 {strides = array<i32>} : memref<1x1x1xf32, #tpu.memory_space<vmem>>, vector<1x1x1xf32>,
    return
  }
  func.func @transform_0(%arg0: i32, %arg1: i32) -> (i32, i32, i32) {
    %c0_i32 = arith.constant 0 : i32
    %c0_i32_0 = arith.constant 0 : i32
    return %arg0, %c0_i32, %arg1 : i32, i32, i32
  }
  func.func @transform_1(%arg0: i32, %arg1: i32) -> (i32, i32, i32) {
    %c0_i32 = arith.constant 0 : i32
    %c0_i32_0 = arith.constant 0 : i32
    return %arg0, %c0_i32, %arg1 : i32, i32, i32
  }
  func.func @transform_2(%arg0: i32, %arg1: i32) -> (i32, i32, i32) {
    %c0_i32 = arith.constant 0 : i32
    %c0_i32_0 = arith.constant 0 : i32
    return %arg0, %c0_i32, %arg1 : i32, i32, i32
  }
  func.func @transform_3(%arg0: i32, %arg1: i32) -> (i32, i32, i32) {
    %c0_i32 = arith.constant 0 : i32
    %c0_i32_0 = arith.constant 0 : i32
    %c0_i32_1 = arith.constant 0 : i32
    return %arg0, %c0_i32, %c0_i32_0 : i32, i32, i32
  }
}

module attributes {stable_mosaic.version = 14 : i64} {
  func.func @_match_kernel(%arg0: i32, %arg1: memref<1x4x16384xf32, #tpu.memory_space<vmem>>, %arg2: memref<4x16384xf32, #tpu.memory_space<vmem>>, %arg3: memref<1x50x5xf32, #tpu.memory_space<vmem>>, %arg4: memref<1x5x50xf32, #tpu.memory_space<vmem>>, %arg5: memref<1x1x1xf32, #tpu.memory_space<vmem>>, %arg6: memref<1x1x1xf32, #tpu.memory_space<vmem>>, %arg7: memref<1x3x16384xf32, #tpu.memory_space<vmem>>, %arg8: memref<1x1x16384xi32, #tpu.memory_space<vmem>>, %arg9: memref<8x16384xf32, #tpu.memory_space<vmem>>) attributes {dimension_semantics = [#tpu.dimension_semantics<arbitrary>], iteration_bounds = array<i64: 16>, scalar_prefetch = 0 : i64, scratch_operands = 1 : i64, tpu.core_type = #tpu.core_type<tc>, window_params = [{transform_indices = @transform_0, window_bounds = array<i64: 1, 4, 16384>}, {pipeline_mode = #tpu.pipeline_mode<synchronous>, transform_indices = @transform_1, window_bounds = array<i64: 4, 16384>}, {transform_indices = @transform_2, window_bounds = array<i64: 1, 50, 5>}, {transform_indices = @transform_3, window_bounds = array<i64: 1, 5, 50>}, {transform_indices = @transform_4, window_bounds = array<i64: 1, 1, 1>}, {transform_indices = @transform_5, window_bounds = array<i64: 1, 1, 1>}, {transform_indices = @transform_6, window_bounds = array<i64: 1, 3, 16384>}, {transform_indices = @transform_7, window_bounds = array<i64: 1, 1, 16384>}]} {
    %get3A = arith.constant 0 : index
    %get3A_0 = arith.constant 0 : index
    %get3A_1 = arith.constant 0 : index
    %get3A_2 = vector.load %arg3[%get3A, %get3A_0, %get3A_1] : memref<1x50x5xf32, #tpu.memory_space<vmem>>, vector<1x50x5xf32>
    %get3A_3 = vector.shape_cast %get3A_2 : vector<1x50x5xf32> to vector<50x5xf32>
    %slice3A = vector.extract_strided_slice %get3A_3 {offsets = [0, 0], sizes = [50, 1], strides = [1, 1]} : vector<50x5xf32> to vector<50x1xf32>
    %slice3A_4 = vector.extract_strided_slice %get3A_3 {offsets = [0, 1], sizes = [50, 1], strides = [1, 1]} : vector<50x5xf32> to vector<50x1xf32>
    %slice3A_5 = vector.extract_strided_slice %get3A_3 {offsets = [0, 2], sizes = [50, 1], strides = [1, 1]} : vector<50x5xf32> to vector<50x1xf32>
    %slice3A_6 = vector.extract_strided_slice %get3A_3 {offsets = [0, 3], sizes = [50, 1], strides = [1, 1]} : vector<50x5xf32> to vector<50x1xf32>
    %sub3A = arith.subf %slice3A_5, %slice3A : vector<50x1xf32>
    %sub3A_7 = arith.subf %slice3A_6, %slice3A_4 : vector<50x1xf32>
    %mul3A = arith.mulf %sub3A, %sub3A_7 : vector<50x1xf32>
    %iota3A = tpu.iota {dimensions = array<i32: 0>} : vector<50x2048xi32>
    %convert_element_type3A = arith.sitofp %iota3A : vector<50x2048xi32> to vector<50x2048xf32>
    %broadcast_in_dim3A = arith.constant -1.000000e+00 : f32
    %broadcast_in_dim3A_8 = vector.broadcast %broadcast_in_dim3A : f32 to vector<50x1xf32>
    %broadcast_in_dim3A_9 = arith.constant 0.000000e+00 : f32
    %broadcast_in_dim3A_10 = vector.broadcast %broadcast_in_dim3A_9 : f32 to vector<50x1xf32>
    %scan3A = arith.constant 0 : i32
    %scan3A_11 = arith.constant 8 : i32
    %scan3A_12 = arith.addi %scan3A, %scan3A_11 : i32
    %scan3A_13 = arith.constant 1 : i32
    %scan3A_14:2 = scf.for %scan3A_40 = %scan3A to %scan3A_12 step %scan3A_13 iter_args(%scan3A_41 = %broadcast_in_dim3A_8, %scan3A_42 = %broadcast_in_dim3A_10) -> (vector<50x1xf32>, vector<50x1xf32>)  : i32 {
      %mul3A_43 = arith.constant 2048 : i32
      %mul3A_44 = arith.muli %scan3A_40, %mul3A_43 : i32
      %get3A_45 = arith.constant 0 : index
      %get3A_46 = arith.index_cast %mul3A_44 : i32 to index
      %get3A_47 = vector.load %arg2[%get3A_45, %get3A_46] : memref<4x16384xf32, #tpu.memory_space<vmem>>, vector<1x2048xf32>
      %get3A_48 = arith.constant 1 : index
      %get3A_49 = arith.index_cast %mul3A_44 : i32 to index
      %get3A_50 = vector.load %arg2[%get3A_48, %get3A_49] : memref<4x16384xf32, #tpu.memory_space<vmem>>, vector<1x2048xf32>
      %get3A_51 = arith.constant 2 : index
      %get3A_52 = arith.index_cast %mul3A_44 : i32 to index
      %get3A_53 = vector.load %arg2[%get3A_51, %get3A_52] : memref<4x16384xf32, #tpu.memory_space<vmem>>, vector<1x2048xf32>
      %get3A_54 = arith.constant 3 : index
      %get3A_55 = arith.index_cast %mul3A_44 : i32 to index
      %get3A_56 = vector.load %arg2[%get3A_54, %get3A_55] : memref<4x16384xf32, #tpu.memory_space<vmem>>, vector<1x2048xf32>
      %mul3A_57 = arith.constant 5.000000e-01 : f32
      %mul3A_58 = vector.broadcast %mul3A_57 : f32 to vector<1x2048xf32>
      %mul3A_59 = arith.mulf %mul3A_58, %get3A_53 : vector<1x2048xf32>
      %sub3A_60 = arith.subf %get3A_47, %mul3A_59 : vector<1x2048xf32>
      %mul3A_61 = arith.constant 5.000000e-01 : f32
      %mul3A_62 = vector.broadcast %mul3A_61 : f32 to vector<1x2048xf32>
      %mul3A_63 = arith.mulf %mul3A_62, %get3A_56 : vector<1x2048xf32>
      %sub3A_64 = arith.subf %get3A_50, %mul3A_63 : vector<1x2048xf32>
      %mul3A_65 = arith.constant 5.000000e-01 : f32
      %mul3A_66 = vector.broadcast %mul3A_65 : f32 to vector<1x2048xf32>
      %mul3A_67 = arith.mulf %mul3A_66, %get3A_53 : vector<1x2048xf32>
      %add3A = arith.addf %get3A_47, %mul3A_67 : vector<1x2048xf32>
      %mul3A_68 = arith.constant 5.000000e-01 : f32
      %mul3A_69 = vector.broadcast %mul3A_68 : f32 to vector<1x2048xf32>
      %mul3A_70 = arith.mulf %mul3A_69, %get3A_56 : vector<1x2048xf32>
      %add3A_71 = arith.addf %get3A_50, %mul3A_70 : vector<1x2048xf32>
      %min3A = vector.broadcast %slice3A_5 : vector<50x1xf32> to vector<50x2048xf32>
      %min3A_72 = vector.broadcast %add3A : vector<1x2048xf32> to vector<50x2048xf32>
      %min3A_73 = arith.minimumf %min3A, %min3A_72 : vector<50x2048xf32>
      %max3A = vector.broadcast %slice3A : vector<50x1xf32> to vector<50x2048xf32>
      %max3A_74 = vector.broadcast %sub3A_60 : vector<1x2048xf32> to vector<50x2048xf32>
      %max3A_75 = arith.maximumf %max3A, %max3A_74 : vector<50x2048xf32>
      %sub3A_76 = arith.subf %min3A_73, %max3A_75 : vector<50x2048xf32>
      %max3A_77 = arith.constant 0.000000e+00 : f32
      %max3A_78 = vector.broadcast %max3A_77 : f32 to vector<50x2048xf32>
      %max3A_79 = arith.maximumf %sub3A_76, %max3A_78 : vector<50x2048xf32>
      %min3A_80 = vector.broadcast %slice3A_6 : vector<50x1xf32> to vector<50x2048xf32>
      %min3A_81 = vector.broadcast %add3A_71 : vector<1x2048xf32> to vector<50x2048xf32>
      %min3A_82 = arith.minimumf %min3A_80, %min3A_81 : vector<50x2048xf32>
      %max3A_83 = vector.broadcast %slice3A_4 : vector<50x1xf32> to vector<50x2048xf32>
      %max3A_84 = vector.broadcast %sub3A_64 : vector<1x2048xf32> to vector<50x2048xf32>
      %max3A_85 = arith.maximumf %max3A_83, %max3A_84 : vector<50x2048xf32>
      %sub3A_86 = arith.subf %min3A_82, %max3A_85 : vector<50x2048xf32>
      %max3A_87 = arith.constant 0.000000e+00 : f32
      %max3A_88 = vector.broadcast %max3A_87 : f32 to vector<50x2048xf32>
      %max3A_89 = arith.maximumf %sub3A_86, %max3A_88 : vector<50x2048xf32>
      %mul3A_90 = arith.mulf %max3A_79, %max3A_89 : vector<50x2048xf32>
      %mul3A_91 = arith.mulf %get3A_53, %get3A_56 : vector<1x2048xf32>
      %add3A_92 = vector.broadcast %mul3A : vector<50x1xf32> to vector<50x2048xf32>
      %add3A_93 = vector.broadcast %mul3A_91 : vector<1x2048xf32> to vector<50x2048xf32>
      %add3A_94 = arith.addf %add3A_92, %add3A_93 : vector<50x2048xf32>
      %sub3A_95 = arith.subf %add3A_94, %mul3A_90 : vector<50x2048xf32>
      %reciprocal3A = tpu.reciprocal %sub3A_95 {approx = true} : vector<50x2048xf32> -> vector<50x2048xf32>
      %mul3A_96 = arith.mulf %mul3A_90, %reciprocal3A : vector<50x2048xf32>
      %reduce_max3A = arith.constant dense<0xFF800000> : vector<2048xf32>
      %reduce_max3A_97 = vector.multi_reduction <maximumf>, %mul3A_96, %reduce_max3A [0] : vector<50x2048xf32> to vector<2048xf32>
      %broadcast_in_dim3A_98 = vector.shape_cast %reduce_max3A_97 : vector<2048xf32> to vector<1x2048xf32>
      %eq3A = vector.broadcast %broadcast_in_dim3A_98 : vector<1x2048xf32> to vector<50x2048xf32>
      %eq3A_99 = arith.cmpf oeq, %mul3A_96, %eq3A : vector<50x2048xf32>
      %jit3A = arith.constant 5.000000e+01 : f32
      %broadcast_in_dim3A_100 = vector.broadcast %jit3A : f32 to vector<50x2048xf32>
      %select_n3A = arith.select %eq3A_99, %convert_element_type3A, %broadcast_in_dim3A_100 : vector<50x2048xi1>, vector<50x2048xf32>
      %reduce_min3A = arith.constant dense<0x7F800000> : vector<2048xf32>
      %reduce_min3A_101 = vector.multi_reduction <minimumf>, %select_n3A, %reduce_min3A [0] : vector<50x2048xf32> to vector<2048xf32>
      %broadcast_in_dim3A_102 = vector.shape_cast %reduce_min3A_101 : vector<2048xf32> to vector<1x2048xf32>
      %swap3A_103 = arith.constant 0 : index
      %swap3A_104 = arith.index_cast %mul3A_44 : i32 to index
      %swap3A_105 = vector.load %arg9[%swap3A_103, %swap3A_104] : memref<8x16384xf32, #tpu.memory_space<vmem>>, vector<1x2048xf32>
      tpu.vector_store %arg9[%swap3A_103, %swap3A_104], %broadcast_in_dim3A_98 {strides = array<i32>} : memref<8x16384xf32, #tpu.memory_space<vmem>>, vector<1x2048xf32>,
      %swap3A_106 = arith.constant 1 : index
      %swap3A_107 = arith.index_cast %mul3A_44 : i32 to index
      %swap3A_108 = vector.load %arg9[%swap3A_106, %swap3A_107] : memref<8x16384xf32, #tpu.memory_space<vmem>>, vector<1x2048xf32>
      tpu.vector_store %arg9[%swap3A_106, %swap3A_107], %broadcast_in_dim3A_102 {strides = array<i32>} : memref<8x16384xf32, #tpu.memory_space<vmem>>, vector<1x2048xf32>,
      %iota3A_109 = tpu.iota {dimensions = array<i32: 1>} : vector<50x2048xi32>
      %convert_element_type3A_110 = arith.sitofp %iota3A_109 : vector<50x2048xi32> to vector<50x2048xf32>
      %convert_element_type3A_111 = arith.sitofp %mul3A_44 : i32 to f32
      %add3A_112 = vector.broadcast %convert_element_type3A_111 : f32 to vector<50x2048xf32>
      %add3A_113 = arith.addf %convert_element_type3A_110, %add3A_112 : vector<50x2048xf32>
      %reduce_max3A_114 = arith.constant dense<0xFF800000> : vector<50xf32>
      %reduce_max3A_115 = vector.multi_reduction <maximumf>, %mul3A_96, %reduce_max3A_114 [1] : vector<50x2048xf32> to vector<50xf32>
      %broadcast_in_dim3A_116 = vector.shape_cast %reduce_max3A_115 : vector<50xf32> to vector<50x1xf32>
      %eq3A_117 = vector.broadcast %broadcast_in_dim3A_116 : vector<50x1xf32> to vector<50x2048xf32>
      %eq3A_118 = arith.cmpf oeq, %mul3A_96, %eq3A_117 : vector<50x2048xf32>
      %jit3A_119 = arith.constant 1.638400e+04 : f32
      %broadcast_in_dim3A_120 = vector.broadcast %jit3A_119 : f32 to vector<50x2048xf32>
      %select_n3A_121 = arith.select %eq3A_118, %add3A_113, %broadcast_in_dim3A_120 : vector<50x2048xi1>, vector<50x2048xf32>
      %reduce_min3A_122 = arith.constant dense<0x7F800000> : vector<50xf32>
      %reduce_min3A_123 = vector.multi_reduction <minimumf>, %select_n3A_121, %reduce_min3A_122 [1] : vector<50x2048xf32> to vector<50xf32>
      %broadcast_in_dim3A_124 = vector.shape_cast %reduce_min3A_123 : vector<50xf32> to vector<50x1xf32>
      %gt3A = arith.cmpf ogt, %broadcast_in_dim3A_116, %scan3A_41 : vector<50x1xf32>
      %max3A_125 = arith.maximumf %scan3A_41, %broadcast_in_dim3A_116 : vector<50x1xf32>
      %select_n3A_126 = arith.select %gt3A, %broadcast_in_dim3A_124, %scan3A_42 : vector<50x1xi1>, vector<50x1xf32>
      scf.yield %max3A_125, %select_n3A_126 : vector<50x1xf32>, vector<50x1xf32>
    }
    %scan3A_15 = arith.constant 8 : i32
    %get3A_16 = arith.constant 0 : index
    %get3A_17 = arith.constant 0 : index
    %get3A_18 = arith.constant 0 : index
    %get3A_19 = vector.load %arg4[%get3A_16, %get3A_17, %get3A_18] : memref<1x5x50xf32, #tpu.memory_space<vmem>>, vector<1x5x50xf32>
    %get3A_20 = vector.shape_cast %get3A_19 : vector<1x5x50xf32> to vector<5x50xf32>
    %broadcast_in_dim3A_21 = arith.constant 0.000000e+00 : f32
    %broadcast_in_dim3A_22 = vector.broadcast %broadcast_in_dim3A_21 : f32 to vector<1x1xf32>
    %scan3A_23 = arith.constant 0 : i32
    %scan3A_24 = arith.constant 8 : i32
    %scan3A_25 = arith.addi %scan3A_23, %scan3A_24 : i32
    %scan3A_26 = arith.constant 1 : i32
    %scan3A_27:2 = scf.for %scan3A_40 = %scan3A_23 to %scan3A_25 step %scan3A_26 iter_args(%scan3A_41 = %broadcast_in_dim3A_22, %scan3A_42 = %broadcast_in_dim3A_22) -> (vector<1x1xf32>, vector<1x1xf32>)  : i32 {
      %mul3A_43 = arith.constant 2048 : i32
      %mul3A_44 = arith.muli %scan3A_40, %mul3A_43 : i32
      %get3A_45 = arith.constant 0 : index
      %get3A_46 = arith.index_cast %mul3A_44 : i32 to index
      %get3A_47 = vector.load %arg9[%get3A_45, %get3A_46] : memref<8x16384xf32, #tpu.memory_space<vmem>>, vector<1x2048xf32>
      %get3A_48 = arith.constant 1 : index
      %get3A_49 = arith.index_cast %mul3A_44 : i32 to index
      %get3A_50 = vector.load %arg9[%get3A_48, %get3A_49] : memref<8x16384xf32, #tpu.memory_space<vmem>>, vector<1x2048xf32>
      %iota3A_51 = tpu.iota {dimensions = array<i32: 1>} : vector<50x2048xi32>
      %convert_element_type3A_52 = arith.sitofp %iota3A_51 : vector<50x2048xi32> to vector<50x2048xf32>
      %convert_element_type3A_53 = arith.sitofp %mul3A_44 : i32 to f32
      %add3A = vector.broadcast %convert_element_type3A_53 : f32 to vector<50x2048xf32>
      %add3A_54 = arith.addf %convert_element_type3A_52, %add3A : vector<50x2048xf32>
      %eq3A = vector.broadcast %scan3A_14#1 : vector<50x1xf32> to vector<50x2048xf32>
      %eq3A_55 = arith.cmpf oeq, %eq3A, %add3A_54 : vector<50x2048xf32>
      %jit3A = arith.constant -1.000000e+00 : f32
      %broadcast_in_dim3A_56 = vector.broadcast %jit3A : f32 to vector<50x2048xf32>
      %select_n3A = arith.select %eq3A_55, %convert_element_type3A, %broadcast_in_dim3A_56 : vector<50x2048xi1>, vector<50x2048xf32>
      %reduce_max3A = arith.constant dense<0xFF800000> : vector<2048xf32>
      %reduce_max3A_57 = vector.multi_reduction <maximumf>, %select_n3A, %reduce_max3A [0] : vector<50x2048xf32> to vector<2048xf32>
      %broadcast_in_dim3A_58 = vector.shape_cast %reduce_max3A_57 : vector<2048xf32> to vector<1x2048xf32>
      %ge3A = arith.constant 0.000000e+00 : f32
      %ge3A_59 = vector.broadcast %ge3A : f32 to vector<1x2048xf32>
      %ge3A_60 = arith.cmpf oge, %broadcast_in_dim3A_58, %ge3A_59 : vector<1x2048xf32>
      %jit3A_61 = arith.constant 2.000000e+00 : f32
      %broadcast_in_dim3A_62 = vector.broadcast %jit3A_61 : f32 to vector<1x2048xf32>
      %select_n3A_63 = arith.select %ge3A_60, %broadcast_in_dim3A_62, %get3A_47 : vector<1x2048xi1>, vector<1x2048xf32>
      %select_n3A_64 = arith.select %ge3A_60, %broadcast_in_dim3A_58, %get3A_50 : vector<1x2048xi1>, vector<1x2048xf32>
      %eq3A_65 = vector.broadcast %select_n3A_64 : vector<1x2048xf32> to vector<50x2048xf32>
      %eq3A_66 = arith.cmpf oeq, %convert_element_type3A, %eq3A_65 : vector<50x2048xf32>
      %convert_element_type3A_67 = arith.extui %eq3A_66 : vector<50x2048xi1> to vector<50x2048xi32>
      %convert_element_type3A_68 = arith.sitofp %convert_element_type3A_67 : vector<50x2048xi32> to vector<50x2048xf32>
      %dot_general3A = arith.constant dense<0.000000e+00> : vector<5x2048xf32>
      %dot_general3A_69 = tpu.matmul %get3A_20, %convert_element_type3A_68, %dot_general3A {dimension_numbers = #tpu.dot_dimension_numbers<[1], [0], [0], [1], [0, 0, 1, 1], [], []>, transpose_lhs_hint = false} : vector<5x50xf32>, vector<50x2048xf32>, vector<5x2048xf32> -> vector<5x2048xf32>
      %slice3A_70 = vector.extract_strided_slice %dot_general3A_69 {offsets = [0, 0], sizes = [1, 2048], strides = [1, 1]} : vector<5x2048xf32> to vector<1x2048xf32>
      %slice3A_71 = vector.extract_strided_slice %dot_general3A_69 {offsets = [1, 0], sizes = [1, 2048], strides = [1, 1]} : vector<5x2048xf32> to vector<1x2048xf32>
      %slice3A_72 = vector.extract_strided_slice %dot_general3A_69 {offsets = [2, 0], sizes = [1, 2048], strides = [1, 1]} : vector<5x2048xf32> to vector<1x2048xf32>
      %slice3A_73 = vector.extract_strided_slice %dot_general3A_69 {offsets = [3, 0], sizes = [1, 2048], strides = [1, 1]} : vector<5x2048xf32> to vector<1x2048xf32>
      %slice3A_74 = vector.extract_strided_slice %dot_general3A_69 {offsets = [4, 0], sizes = [1, 2048], strides = [1, 1]} : vector<5x2048xf32> to vector<1x2048xf32>
      %ge3A_75 = arith.constant 5.000000e-01 : f32
      %ge3A_76 = vector.broadcast %ge3A_75 : f32 to vector<1x2048xf32>
      %ge3A_77 = arith.cmpf oge, %select_n3A_63, %ge3A_76 : vector<1x2048xf32>
      %convert_element_type3A_78 = arith.extui %ge3A_77 : vector<1x2048xi1> to vector<1x2048xi32>
      %convert_element_type3A_79 = arith.sitofp %convert_element_type3A_78 : vector<1x2048xi32> to vector<1x2048xf32>
      %ge3A_80 = arith.constant 4.000000e-01 : f32
      %ge3A_81 = vector.broadcast %ge3A_80 : f32 to vector<1x2048xf32>
      %ge3A_82 = arith.cmpf oge, %select_n3A_63, %ge3A_81 : vector<1x2048xf32>
      %lt3A = arith.constant 5.000000e-01 : f32
      %lt3A_83 = vector.broadcast %lt3A : f32 to vector<1x2048xf32>
      %lt3A_84 = arith.cmpf olt, %select_n3A_63, %lt3A_83 : vector<1x2048xf32>
      %and3A = arith.andi %ge3A_82, %lt3A_84 : vector<1x2048xi1>
      %convert_element_type3A_85 = arith.extui %and3A : vector<1x2048xi1> to vector<1x2048xi32>
      %convert_element_type3A_86 = arith.sitofp %convert_element_type3A_85 : vector<1x2048xi32> to vector<1x2048xf32>
      %lt3A_87 = arith.constant 4.000000e-01 : f32
      %lt3A_88 = vector.broadcast %lt3A_87 : f32 to vector<1x2048xf32>
      %lt3A_89 = arith.cmpf olt, %select_n3A_63, %lt3A_88 : vector<1x2048xf32>
      %add3A_90 = arith.constant 1.000000e+00 : f32
      %add3A_91 = vector.broadcast %add3A_90 : f32 to vector<1x2048xf32>
      %add3A_92 = arith.addf %slice3A_74, %add3A_91 : vector<1x2048xf32>
      %jit3A_93 = arith.constant 0.000000e+00 : f32
      %broadcast_in_dim3A_94 = vector.broadcast %jit3A_93 : f32 to vector<1x2048xf32>
      %select_n3A_95 = arith.select %lt3A_89, %broadcast_in_dim3A_94, %add3A_92 : vector<1x2048xi1>, vector<1x2048xf32>
      %get3A_96 = arith.constant 0 : index
      %get3A_97 = arith.index_cast %mul3A_44 : i32 to index
      %get3A_98 = vector.load %arg2[%get3A_96, %get3A_97] : memref<4x16384xf32, #tpu.memory_space<vmem>>, vector<1x2048xf32>
      %get3A_99 = arith.constant 1 : index
      %get3A_100 = arith.index_cast %mul3A_44 : i32 to index
      %get3A_101 = vector.load %arg2[%get3A_99, %get3A_100] : memref<4x16384xf32, #tpu.memory_space<vmem>>, vector<1x2048xf32>
      %get3A_102 = arith.constant 2 : index
      %get3A_103 = arith.index_cast %mul3A_44 : i32 to index
      %get3A_104 = vector.load %arg2[%get3A_102, %get3A_103] : memref<4x16384xf32, #tpu.memory_space<vmem>>, vector<1x2048xf32>
      %get3A_105 = arith.constant 3 : index
      %get3A_106 = arith.index_cast %mul3A_44 : i32 to index
      %get3A_107 = vector.load %arg2[%get3A_105, %get3A_106] : memref<4x16384xf32, #tpu.memory_space<vmem>>, vector<1x2048xf32>
      %add3A_108 = arith.addf %slice3A_70, %slice3A_72 : vector<1x2048xf32>
      %mul3A_109 = arith.constant 5.000000e-01 : f32
      %mul3A_110 = vector.broadcast %mul3A_109 : f32 to vector<1x2048xf32>
      %mul3A_111 = arith.mulf %add3A_108, %mul3A_110 : vector<1x2048xf32>
      %sub3A_112 = arith.subf %mul3A_111, %get3A_98 : vector<1x2048xf32>
      %mul3A_113 = arith.constant 1.000000e-01 : f32
      %mul3A_114 = vector.broadcast %mul3A_113 : f32 to vector<1x2048xf32>
      %mul3A_115 = arith.mulf %mul3A_114, %get3A_104 : vector<1x2048xf32>
      %div3A = arith.divf %sub3A_112, %mul3A_115 : vector<1x2048xf32>
      %add3A_116 = arith.addf %slice3A_71, %slice3A_73 : vector<1x2048xf32>
      %mul3A_117 = arith.constant 5.000000e-01 : f32
      %mul3A_118 = vector.broadcast %mul3A_117 : f32 to vector<1x2048xf32>
      %mul3A_119 = arith.mulf %add3A_116, %mul3A_118 : vector<1x2048xf32>
      %sub3A_120 = arith.subf %mul3A_119, %get3A_101 : vector<1x2048xf32>
      %mul3A_121 = arith.constant 1.000000e-01 : f32
      %mul3A_122 = vector.broadcast %mul3A_121 : f32 to vector<1x2048xf32>
      %mul3A_123 = arith.mulf %mul3A_122, %get3A_107 : vector<1x2048xf32>
      %div3A_124 = arith.divf %sub3A_120, %mul3A_123 : vector<1x2048xf32>
      %sub3A_125 = arith.subf %slice3A_72, %slice3A_70 : vector<1x2048xf32>
      %div3A_126 = arith.divf %sub3A_125, %get3A_104 : vector<1x2048xf32>
      %log3A = math.log %div3A_126 : vector<1x2048xf32>
      %mul3A_127 = arith.constant 5.000000e+00 : f32
      %mul3A_128 = vector.broadcast %mul3A_127 : f32 to vector<1x2048xf32>
      %mul3A_129 = arith.mulf %log3A, %mul3A_128 : vector<1x2048xf32>
      %sub3A_130 = arith.subf %slice3A_73, %slice3A_71 : vector<1x2048xf32>
      %div3A_131 = arith.divf %sub3A_130, %get3A_107 : vector<1x2048xf32>
      %log3A_132 = math.log %div3A_131 : vector<1x2048xf32>
      %mul3A_133 = arith.constant 5.000000e+00 : f32
      %mul3A_134 = vector.broadcast %mul3A_133 : f32 to vector<1x2048xf32>
      %mul3A_135 = arith.mulf %log3A_132, %mul3A_134 : vector<1x2048xf32>
      %get3A_136 = arith.constant 0 : index
      %get3A_137 = arith.constant 0 : index
      %get3A_138 = arith.index_cast %mul3A_44 : i32 to index
      %get3A_139 = vector.load %arg1[%get3A_136, %get3A_137, %get3A_138] : memref<1x4x16384xf32, #tpu.memory_space<vmem>>, vector<1x1x2048xf32>
      %get3A_140 = vector.shape_cast %get3A_139 : vector<1x1x2048xf32> to vector<1x2048xf32>
      %sub3A_141 = arith.subf %get3A_140, %div3A : vector<1x2048xf32>
      %abs3A = math.absf %sub3A_141 : vector<1x2048xf32>
      %mul3A_142 = arith.constant 19.085537 : f32
      %mul3A_143 = vector.broadcast %mul3A_142 : f32 to vector<1x2048xf32>
      %mul3A_144 = arith.mulf %mul3A_143, %abs3A : vector<1x2048xf32>
      %add3A_145 = arith.constant 1.000000e+00 : f32
      %add3A_146 = vector.broadcast %add3A_145 : f32 to vector<1x2048xf32>
      %add3A_147 = arith.addf %mul3A_144, %add3A_146 : vector<1x2048xf32>
      %mul3A_148 = arith.constant 0.0261978488 : f32
      %mul3A_149 = vector.broadcast %mul3A_148 : f32 to vector<1x2048xf32>
      %mul3A_150 = arith.mulf %mul3A_149, %add3A_147 : vector<1x2048xf32>
      %mul3A_151 = arith.constant 19.085537 : f32
      %mul3A_152 = vector.broadcast %mul3A_151 : f32 to vector<1x2048xf32>
      %mul3A_153 = arith.mulf %mul3A_152, %abs3A : vector<1x2048xf32>
      %div3A_154 = arith.constant 1.100000e-01 : f32
      %div3A_155 = vector.broadcast %div3A_154 : f32 to vector<1x2048xf32>
      %div3A_156 = arith.divf %mul3A_153, %div3A_155 : vector<1x2048xf32>
      %add3A_157 = arith.constant 1.000000e+00 : f32
      %add3A_158 = vector.broadcast %add3A_157 : f32 to vector<1x2048xf32>
      %add3A_159 = arith.addf %div3A_156, %add3A_158 : vector<1x2048xf32>
      %log3A_160 = math.log %add3A_159 : vector<1x2048xf32>
      %mul3A_161 = arith.mulf %mul3A_150, %log3A_160 : vector<1x2048xf32>
      %mul3A_162 = arith.constant 5.000000e-01 : f32
      %mul3A_163 = vector.broadcast %mul3A_162 : f32 to vector<1x2048xf32>
      %mul3A_164 = arith.mulf %mul3A_163, %abs3A : vector<1x2048xf32>
      %sub3A_165 = arith.subf %mul3A_161, %mul3A_164 : vector<1x2048xf32>
      %mul3A_166 = arith.constant 1.500000e+00 : f32
      %mul3A_167 = vector.broadcast %mul3A_166 : f32 to vector<1x2048xf32>
      %mul3A_168 = arith.mulf %mul3A_167, %abs3A : vector<1x2048xf32>
      %add3A_169 = arith.constant 0.0785935446 : f32
      %add3A_170 = vector.broadcast %add3A_169 : f32 to vector<1x2048xf32>
      %add3A_171 = arith.addf %mul3A_168, %add3A_170 : vector<1x2048xf32>
      %sub3A_172 = arith.constant 5.500000e-02 : f32
      %sub3A_173 = vector.broadcast %sub3A_172 : f32 to vector<1x2048xf32>
      %sub3A_174 = arith.subf %add3A_171, %sub3A_173 : vector<1x2048xf32>
      %lt3A_175 = arith.constant 1.100000e-01 : f32
      %lt3A_176 = vector.broadcast %lt3A_175 : f32 to vector<1x2048xf32>
      %lt3A_177 = arith.cmpf olt, %abs3A, %lt3A_176 : vector<1x2048xf32>
      %select_n3A_178 = arith.select %lt3A_177, %sub3A_165, %sub3A_174 : vector<1x2048xi1>, vector<1x2048xf32>
      %get3A_179 = arith.constant 0 : index
      %get3A_180 = arith.constant 1 : index
      %get3A_181 = arith.index_cast %mul3A_44 : i32 to index
      %get3A_182 = vector.load %arg1[%get3A_179, %get3A_180, %get3A_181] : memref<1x4x16384xf32, #tpu.memory_space<vmem>>, vector<1x1x2048xf32>
      %get3A_183 = vector.shape_cast %get3A_182 : vector<1x1x2048xf32> to vector<1x2048xf32>
      %sub3A_184 = arith.subf %get3A_183, %div3A_124 : vector<1x2048xf32>
      %abs3A_185 = math.absf %sub3A_184 : vector<1x2048xf32>
      %mul3A_186 = arith.constant 19.085537 : f32
      %mul3A_187 = vector.broadcast %mul3A_186 : f32 to vector<1x2048xf32>
      %mul3A_188 = arith.mulf %mul3A_187, %abs3A_185 : vector<1x2048xf32>
      %add3A_189 = arith.constant 1.000000e+00 : f32
      %add3A_190 = vector.broadcast %add3A_189 : f32 to vector<1x2048xf32>
      %add3A_191 = arith.addf %mul3A_188, %add3A_190 : vector<1x2048xf32>
      %mul3A_192 = arith.constant 0.0261978488 : f32
      %mul3A_193 = vector.broadcast %mul3A_192 : f32 to vector<1x2048xf32>
      %mul3A_194 = arith.mulf %mul3A_193, %add3A_191 : vector<1x2048xf32>
      %mul3A_195 = arith.constant 19.085537 : f32
      %mul3A_196 = vector.broadcast %mul3A_195 : f32 to vector<1x2048xf32>
      %mul3A_197 = arith.mulf %mul3A_196, %abs3A_185 : vector<1x2048xf32>
      %div3A_198 = arith.constant 1.100000e-01 : f32
      %div3A_199 = vector.broadcast %div3A_198 : f32 to vector<1x2048xf32>
      %div3A_200 = arith.divf %mul3A_197, %div3A_199 : vector<1x2048xf32>
      %add3A_201 = arith.constant 1.000000e+00 : f32
      %add3A_202 = vector.broadcast %add3A_201 : f32 to vector<1x2048xf32>
      %add3A_203 = arith.addf %div3A_200, %add3A_202 : vector<1x2048xf32>
      %log3A_204 = math.log %add3A_203 : vector<1x2048xf32>
      %mul3A_205 = arith.mulf %mul3A_194, %log3A_204 : vector<1x2048xf32>
      %mul3A_206 = arith.constant 5.000000e-01 : f32
      %mul3A_207 = vector.broadcast %mul3A_206 : f32 to vector<1x2048xf32>
      %mul3A_208 = arith.mulf %mul3A_207, %abs3A_185 : vector<1x2048xf32>
      %sub3A_209 = arith.subf %mul3A_205, %mul3A_208 : vector<1x2048xf32>
      %mul3A_210 = arith.constant 1.500000e+00 : f32
      %mul3A_211 = vector.broadcast %mul3A_210 : f32 to vector<1x2048xf32>
      %mul3A_212 = arith.mulf %mul3A_211, %abs3A_185 : vector<1x2048xf32>
      %add3A_213 = arith.constant 0.0785935446 : f32
      %add3A_214 = vector.broadcast %add3A_213 : f32 to vector<1x2048xf32>
      %add3A_215 = arith.addf %mul3A_212, %add3A_214 : vector<1x2048xf32>
      %sub3A_216 = arith.constant 5.500000e-02 : f32
      %sub3A_217 = vector.broadcast %sub3A_216 : f32 to vector<1x2048xf32>
      %sub3A_218 = arith.subf %add3A_215, %sub3A_217 : vector<1x2048xf32>
      %lt3A_219 = arith.constant 1.100000e-01 : f32
      %lt3A_220 = vector.broadcast %lt3A_219 : f32 to vector<1x2048xf32>
      %lt3A_221 = arith.cmpf olt, %abs3A_185, %lt3A_220 : vector<1x2048xf32>
      %select_n3A_222 = arith.select %lt3A_221, %sub3A_209, %sub3A_218 : vector<1x2048xi1>, vector<1x2048xf32>
      %add3A_223 = arith.addf %select_n3A_178, %select_n3A_222 : vector<1x2048xf32>
      %get3A_224 = arith.constant 0 : index
      %get3A_225 = arith.constant 2 : index
      %get3A_226 = arith.index_cast %mul3A_44 : i32 to index
      %get3A_227 = vector.load %arg1[%get3A_224, %get3A_225, %get3A_226] : memref<1x4x16384xf32, #tpu.memory_space<vmem>>, vector<1x1x2048xf32>
      %get3A_228 = vector.shape_cast %get3A_227 : vector<1x1x2048xf32> to vector<1x2048xf32>
      %sub3A_229 = arith.subf %get3A_228, %mul3A_129 : vector<1x2048xf32>
      %abs3A_230 = math.absf %sub3A_229 : vector<1x2048xf32>
      %mul3A_231 = arith.constant 19.085537 : f32
      %mul3A_232 = vector.broadcast %mul3A_231 : f32 to vector<1x2048xf32>
      %mul3A_233 = arith.mulf %mul3A_232, %abs3A_230 : vector<1x2048xf32>
      %add3A_234 = arith.constant 1.000000e+00 : f32
      %add3A_235 = vector.broadcast %add3A_234 : f32 to vector<1x2048xf32>
      %add3A_236 = arith.addf %mul3A_233, %add3A_235 : vector<1x2048xf32>
      %mul3A_237 = arith.constant 0.0261978488 : f32
      %mul3A_238 = vector.broadcast %mul3A_237 : f32 to vector<1x2048xf32>
      %mul3A_239 = arith.mulf %mul3A_238, %add3A_236 : vector<1x2048xf32>
      %mul3A_240 = arith.constant 19.085537 : f32
      %mul3A_241 = vector.broadcast %mul3A_240 : f32 to vector<1x2048xf32>
      %mul3A_242 = arith.mulf %mul3A_241, %abs3A_230 : vector<1x2048xf32>
      %div3A_243 = arith.constant 1.100000e-01 : f32
      %div3A_244 = vector.broadcast %div3A_243 : f32 to vector<1x2048xf32>
      %div3A_245 = arith.divf %mul3A_242, %div3A_244 : vector<1x2048xf32>
      %add3A_246 = arith.constant 1.000000e+00 : f32
      %add3A_247 = vector.broadcast %add3A_246 : f32 to vector<1x2048xf32>
      %add3A_248 = arith.addf %div3A_245, %add3A_247 : vector<1x2048xf32>
      %log3A_249 = math.log %add3A_248 : vector<1x2048xf32>
      %mul3A_250 = arith.mulf %mul3A_239, %log3A_249 : vector<1x2048xf32>
      %mul3A_251 = arith.constant 5.000000e-01 : f32
      %mul3A_252 = vector.broadcast %mul3A_251 : f32 to vector<1x2048xf32>
      %mul3A_253 = arith.mulf %mul3A_252, %abs3A_230 : vector<1x2048xf32>
      %sub3A_254 = arith.subf %mul3A_250, %mul3A_253 : vector<1x2048xf32>
      %mul3A_255 = arith.constant 1.500000e+00 : f32
      %mul3A_256 = vector.broadcast %mul3A_255 : f32 to vector<1x2048xf32>
      %mul3A_257 = arith.mulf %mul3A_256, %abs3A_230 : vector<1x2048xf32>
      %add3A_258 = arith.constant 0.0785935446 : f32
      %add3A_259 = vector.broadcast %add3A_258 : f32 to vector<1x2048xf32>
      %add3A_260 = arith.addf %mul3A_257, %add3A_259 : vector<1x2048xf32>
      %sub3A_261 = arith.constant 5.500000e-02 : f32
      %sub3A_262 = vector.broadcast %sub3A_261 : f32 to vector<1x2048xf32>
      %sub3A_263 = arith.subf %add3A_260, %sub3A_262 : vector<1x2048xf32>
      %lt3A_264 = arith.constant 1.100000e-01 : f32
      %lt3A_265 = vector.broadcast %lt3A_264 : f32 to vector<1x2048xf32>
      %lt3A_266 = arith.cmpf olt, %abs3A_230, %lt3A_265 : vector<1x2048xf32>
      %select_n3A_267 = arith.select %lt3A_266, %sub3A_254, %sub3A_263 : vector<1x2048xi1>, vector<1x2048xf32>
      %add3A_268 = arith.addf %add3A_223, %select_n3A_267 : vector<1x2048xf32>
      %get3A_269 = arith.constant 0 : index
      %get3A_270 = arith.constant 3 : index
      %get3A_271 = arith.index_cast %mul3A_44 : i32 to index
      %get3A_272 = vector.load %arg1[%get3A_269, %get3A_270, %get3A_271] : memref<1x4x16384xf32, #tpu.memory_space<vmem>>, vector<1x1x2048xf32>
      %get3A_273 = vector.shape_cast %get3A_272 : vector<1x1x2048xf32> to vector<1x2048xf32>
      %sub3A_274 = arith.subf %get3A_273, %mul3A_135 : vector<1x2048xf32>
      %abs3A_275 = math.absf %sub3A_274 : vector<1x2048xf32>
      %mul3A_276 = arith.constant 19.085537 : f32
      %mul3A_277 = vector.broadcast %mul3A_276 : f32 to vector<1x2048xf32>
      %mul3A_278 = arith.mulf %mul3A_277, %abs3A_275 : vector<1x2048xf32>
      %add3A_279 = arith.constant 1.000000e+00 : f32
      %add3A_280 = vector.broadcast %add3A_279 : f32 to vector<1x2048xf32>
      %add3A_281 = arith.addf %mul3A_278, %add3A_280 : vector<1x2048xf32>
      %mul3A_282 = arith.constant 0.0261978488 : f32
      %mul3A_283 = vector.broadcast %mul3A_282 : f32 to vector<1x2048xf32>
      %mul3A_284 = arith.mulf %mul3A_283, %add3A_281 : vector<1x2048xf32>
      %mul3A_285 = arith.constant 19.085537 : f32
      %mul3A_286 = vector.broadcast %mul3A_285 : f32 to vector<1x2048xf32>
      %mul3A_287 = arith.mulf %mul3A_286, %abs3A_275 : vector<1x2048xf32>
      %div3A_288 = arith.constant 1.100000e-01 : f32
      %div3A_289 = vector.broadcast %div3A_288 : f32 to vector<1x2048xf32>
      %div3A_290 = arith.divf %mul3A_287, %div3A_289 : vector<1x2048xf32>
      %add3A_291 = arith.constant 1.000000e+00 : f32
      %add3A_292 = vector.broadcast %add3A_291 : f32 to vector<1x2048xf32>
      %add3A_293 = arith.addf %div3A_290, %add3A_292 : vector<1x2048xf32>
      %log3A_294 = math.log %add3A_293 : vector<1x2048xf32>
      %mul3A_295 = arith.mulf %mul3A_284, %log3A_294 : vector<1x2048xf32>
      %mul3A_296 = arith.constant 5.000000e-01 : f32
      %mul3A_297 = vector.broadcast %mul3A_296 : f32 to vector<1x2048xf32>
      %mul3A_298 = arith.mulf %mul3A_297, %abs3A_275 : vector<1x2048xf32>
      %sub3A_299 = arith.subf %mul3A_295, %mul3A_298 : vector<1x2048xf32>
      %mul3A_300 = arith.constant 1.500000e+00 : f32
      %mul3A_301 = vector.broadcast %mul3A_300 : f32 to vector<1x2048xf32>
      %mul3A_302 = arith.mulf %mul3A_301, %abs3A_275 : vector<1x2048xf32>
      %add3A_303 = arith.constant 0.0785935446 : f32
      %add3A_304 = vector.broadcast %add3A_303 : f32 to vector<1x2048xf32>
      %add3A_305 = arith.addf %mul3A_302, %add3A_304 : vector<1x2048xf32>
      %sub3A_306 = arith.constant 5.500000e-02 : f32
      %sub3A_307 = vector.broadcast %sub3A_306 : f32 to vector<1x2048xf32>
      %sub3A_308 = arith.subf %add3A_305, %sub3A_307 : vector<1x2048xf32>
      %lt3A_309 = arith.constant 1.100000e-01 : f32
      %lt3A_310 = vector.broadcast %lt3A_309 : f32 to vector<1x2048xf32>
      %lt3A_311 = arith.cmpf olt, %abs3A_275, %lt3A_310 : vector<1x2048xf32>
      %select_n3A_312 = arith.select %lt3A_311, %sub3A_299, %sub3A_308 : vector<1x2048xi1>, vector<1x2048xf32>
      %add3A_313 = arith.addf %add3A_268, %select_n3A_312 : vector<1x2048xf32>
      %swap3A_314 = arith.constant 0 : index
      %swap3A_315 = arith.constant 0 : index
      %swap3A_316 = arith.index_cast %mul3A_44 : i32 to index
      %swap3A_317 = vector.load %arg7[%swap3A_314, %swap3A_315, %swap3A_316] : memref<1x3x16384xf32, #tpu.memory_space<vmem>>, vector<1x1x2048xf32>
      %swap3A_318 = vector.shape_cast %swap3A_317 : vector<1x1x2048xf32> to vector<1x2048xf32>
      %swap3A_319 = vector.shape_cast %convert_element_type3A_79 : vector<1x2048xf32> to vector<1x1x2048xf32>
      tpu.vector_store %arg7[%swap3A_314, %swap3A_315, %swap3A_316], %swap3A_319 {strides = array<i32>} : memref<1x3x16384xf32, #tpu.memory_space<vmem>>, vector<1x1x2048xf32>,
      %swap3A_320 = arith.constant 0 : index
      %swap3A_321 = arith.constant 1 : index
      %swap3A_322 = arith.index_cast %mul3A_44 : i32 to index
      %swap3A_323 = vector.load %arg7[%swap3A_320, %swap3A_321, %swap3A_322] : memref<1x3x16384xf32, #tpu.memory_space<vmem>>, vector<1x1x2048xf32>
      %swap3A_324 = vector.shape_cast %swap3A_323 : vector<1x1x2048xf32> to vector<1x2048xf32>
      %swap3A_325 = vector.shape_cast %convert_element_type3A_86 : vector<1x2048xf32> to vector<1x1x2048xf32>
      tpu.vector_store %arg7[%swap3A_320, %swap3A_321, %swap3A_322], %swap3A_325 {strides = array<i32>} : memref<1x3x16384xf32, #tpu.memory_space<vmem>>, vector<1x1x2048xf32>,
      %swap3A_326 = arith.constant 0 : index
      %swap3A_327 = arith.constant 2 : index
      %swap3A_328 = arith.index_cast %mul3A_44 : i32 to index
      %swap3A_329 = vector.load %arg7[%swap3A_326, %swap3A_327, %swap3A_328] : memref<1x3x16384xf32, #tpu.memory_space<vmem>>, vector<1x1x2048xf32>
      %swap3A_330 = vector.shape_cast %swap3A_329 : vector<1x1x2048xf32> to vector<1x2048xf32>
      %swap3A_331 = vector.shape_cast %select_n3A_95 : vector<1x2048xf32> to vector<1x1x2048xf32>
      tpu.vector_store %arg7[%swap3A_326, %swap3A_327, %swap3A_328], %swap3A_331 {strides = array<i32>} : memref<1x3x16384xf32, #tpu.memory_space<vmem>>, vector<1x1x2048xf32>,
      %iota3A_332 = tpu.iota {dimensions = array<i32: 1>} : vector<1x2048xi32>
      %add3A_333 = vector.broadcast %mul3A_44 : i32 to vector<1x2048xi32>
      %add3A_334 = arith.addi %iota3A_332, %add3A_333 : vector<1x2048xi32>
      %mul3A_335 = arith.constant 1310720 : i32
      %mul3A_336 = arith.muli %arg0, %mul3A_335 : i32
      %convert_element_type3A_337 = arith.fptosi %select_n3A_95 : vector<1x2048xf32> to vector<1x2048xi32>
      %sub3A_338 = arith.constant 1 : i32
      %sub3A_339 = vector.broadcast %sub3A_338 : i32 to vector<1x2048xi32>
      %sub3A_340 = arith.subi %convert_element_type3A_337, %sub3A_339 : vector<1x2048xi32>
      %mul3A_341 = arith.constant 16384 : i32
      %mul3A_342 = vector.broadcast %mul3A_341 : i32 to vector<1x2048xi32>
      %mul3A_343 = arith.muli %sub3A_340, %mul3A_342 : vector<1x2048xi32>
      %add3A_344 = vector.broadcast %mul3A_336 : i32 to vector<1x2048xi32>
      %add3A_345 = arith.addi %add3A_344, %mul3A_343 : vector<1x2048xi32>
      %add3A_346 = arith.addi %add3A_345, %add3A_334 : vector<1x2048xi32>
      %max3A = arith.constant 0 : i32
      %max3A_347 = vector.broadcast %max3A : i32 to vector<1x2048xi32>
      %max3A_348 = arith.maxsi %add3A_346, %max3A_347 : vector<1x2048xi32>
      %swap3A_349 = arith.constant 0 : index
      %swap3A_350 = arith.constant 0 : index
      %swap3A_351 = arith.index_cast %mul3A_44 : i32 to index
      %swap3A_352 = vector.load %arg8[%swap3A_349, %swap3A_350, %swap3A_351] : memref<1x1x16384xi32, #tpu.memory_space<vmem>>, vector<1x1x2048xi32>
      %swap3A_353 = vector.shape_cast %swap3A_352 : vector<1x1x2048xi32> to vector<1x2048xi32>
      %swap3A_354 = vector.shape_cast %max3A_348 : vector<1x2048xi32> to vector<1x1x2048xi32>
      tpu.vector_store %arg8[%swap3A_349, %swap3A_350, %swap3A_351], %swap3A_354 {strides = array<i32>} : memref<1x1x16384xi32, #tpu.memory_space<vmem>>, vector<1x1x2048xi32>,
      %mul3A_355 = arith.mulf %add3A_313, %convert_element_type3A_79 : vector<1x2048xf32>
      %reduce_sum3A = vector.shape_cast %mul3A_355 : vector<1x2048xf32> to vector<1x1x2048xf32>
      %reduce_sum3A_356 = arith.constant dense<0.000000e+00> : vector<1xf32>
      %reduce_sum3A_357 = vector.multi_reduction <add>, %reduce_sum3A, %reduce_sum3A_356 [1, 2] : vector<1x1x2048xf32> to vector<1xf32>
      %reduce_sum3A_358 = vector.shape_cast %reduce_sum3A_357 : vector<1xf32> to vector<1x1x1xf32>
      %reduce_sum3A_359 = vector.extract %reduce_sum3A_358[0, 0, 0] : f32 from vector<1x1x1xf32>
      %broadcast_in_dim3A_360 = vector.broadcast %reduce_sum3A_359 : f32 to vector<1x1xf32>
      %add3A_361 = arith.addf %scan3A_41, %broadcast_in_dim3A_360 : vector<1x1xf32>
      %reduce_sum3A_362 = vector.shape_cast %convert_element_type3A_79 : vector<1x2048xf32> to vector<1x1x2048xf32>
      %reduce_sum3A_363 = arith.constant dense<0.000000e+00> : vector<1xf32>
      %reduce_sum3A_364 = vector.multi_reduction <add>, %reduce_sum3A_362, %reduce_sum3A_363 [1, 2] : vector<1x1x2048xf32> to vector<1xf32>
      %reduce_sum3A_365 = vector.shape_cast %reduce_sum3A_364 : vector<1xf32> to vector<1x1x1xf32>
      %reduce_sum3A_366 = vector.extract %reduce_sum3A_365[0, 0, 0] : f32 from vector<1x1x1xf32>
      %broadcast_in_dim3A_367 = vector.broadcast %reduce_sum3A_366 : f32 to vector<1x1xf32>
      %add3A_368 = arith.addf %scan3A_42, %broadcast_in_dim3A_367 : vector<1x1xf32>
      scf.yield %add3A_361, %add3A_368 : vector<1x1xf32>, vector<1x1xf32>
    }
    %scan3A_28 = arith.constant 8 : i32
    %swap3A = arith.constant 0 : index
    %swap3A_29 = arith.constant 0 : index
    %swap3A_30 = arith.constant 0 : index
    %swap3A_31 = vector.load %arg5[%swap3A, %swap3A_29, %swap3A_30] : memref<1x1x1xf32, #tpu.memory_space<vmem>>, vector<1x1x1xf32>
    %swap3A_32 = vector.shape_cast %swap3A_31 : vector<1x1x1xf32> to vector<1x1xf32>
    %swap3A_33 = vector.shape_cast %scan3A_27#0 : vector<1x1xf32> to vector<1x1x1xf32>
    tpu.vector_store %arg5[%swap3A, %swap3A_29, %swap3A_30], %swap3A_33 {strides = array<i32>} : memref<1x1x1xf32, #tpu.memory_space<vmem>>, vector<1x1x1xf32>,
    %swap3A_34 = arith.constant 0 : index
    %swap3A_35 = arith.constant 0 : index
    %swap3A_36 = arith.constant 0 : index
    %swap3A_37 = vector.load %arg6[%swap3A_34, %swap3A_35, %swap3A_36] : memref<1x1x1xf32, #tpu.memory_space<vmem>>, vector<1x1x1xf32>
    %swap3A_38 = vector.shape_cast %swap3A_37 : vector<1x1x1xf32> to vector<1x1xf32>
    %swap3A_39 = vector.shape_cast %scan3A_27#1 : vector<1x1xf32> to vector<1x1x1xf32>
    tpu.vector_store %arg6[%swap3A_34, %swap3A_35, %swap3A_36], %swap3A_39 {strides = array<i32>} : memref<1x1x1xf32, #tpu.memory_space<vmem>>, vector<1x1x1xf32>,
    return
  }
  func.func @transform_0(%arg0: i32) -> (i32, i32, i32) {
    %c0_i32 = arith.constant 0 : i32
    %c0_i32_0 = arith.constant 0 : i32
    %c0_i32_1 = arith.constant 0 : i32
    return %arg0, %c0_i32, %c0_i32_0 : i32, i32, i32
  }
  func.func @transform_1(%arg0: i32) -> (i32, i32) {
    %c0_i32 = arith.constant 0 : i32
    %c0_i32_0 = arith.constant 0 : i32
    %c0_i32_1 = arith.constant 0 : i32
    return %c0_i32, %c0_i32_0 : i32, i32
  }
  func.func @transform_2(%arg0: i32) -> (i32, i32, i32) {
    %c0_i32 = arith.constant 0 : i32
    %c0_i32_0 = arith.constant 0 : i32
    %c0_i32_1 = arith.constant 0 : i32
    return %arg0, %c0_i32, %c0_i32_0 : i32, i32, i32
  }
  func.func @transform_3(%arg0: i32) -> (i32, i32, i32) {
    %c0_i32 = arith.constant 0 : i32
    %c0_i32_0 = arith.constant 0 : i32
    %c0_i32_1 = arith.constant 0 : i32
    return %arg0, %c0_i32, %c0_i32_0 : i32, i32, i32
  }
  func.func @transform_4(%arg0: i32) -> (i32, i32, i32) {
    %c0_i32 = arith.constant 0 : i32
    %c0_i32_0 = arith.constant 0 : i32
    %c0_i32_1 = arith.constant 0 : i32
    return %arg0, %c0_i32, %c0_i32_0 : i32, i32, i32
  }
  func.func @transform_5(%arg0: i32) -> (i32, i32, i32) {
    %c0_i32 = arith.constant 0 : i32
    %c0_i32_0 = arith.constant 0 : i32
    %c0_i32_1 = arith.constant 0 : i32
    return %arg0, %c0_i32, %c0_i32_0 : i32, i32, i32
  }
  func.func @transform_6(%arg0: i32) -> (i32, i32, i32) {
    %c0_i32 = arith.constant 0 : i32
    %c0_i32_0 = arith.constant 0 : i32
    %c0_i32_1 = arith.constant 0 : i32
    return %arg0, %c0_i32, %c0_i32_0 : i32, i32, i32
  }
  func.func @transform_7(%arg0: i32) -> (i32, i32, i32) {
    %c0_i32 = arith.constant 0 : i32
    %c0_i32_0 = arith.constant 0 : i32
    %c0_i32_1 = arith.constant 0 : i32
    return %arg0, %c0_i32, %c0_i32_0 : i32, i32, i32
  }
}

</mosaic_0001>

<sc_bundles>
// kernel: kernel.5.cloned.1.call-start
scs
__scs_entry_jumppad:
0x0: {  	(pc) =	sbr.rel $0x88, $3  }
0x1: {  	(tag) =	ssettag $0x0;
	lr =	simm.s32 $0x1  }
0x2: {  	[smem:$0x3F9D] =	sst lr;
	_ =	strace $0xD0000000  }
0x3: {  	_ = 	snop  }
0x4: {  	_ = 	snop  }
0x5: {  	_ = 	snop  }
0x6: {  	_ = 	snop  }
0x7: {  	_ = 	snop  }
__scs_overlays_trampoline_lowered:
0x8: {  	[smem:$0x3FAC] =	sst s0  }
0x9: {  	[smem:$0x3FAD] =	sst s1  }
0xa: {  	[smem:$0x3FAE] =	sst s2  }
0xb: {  	[smem:$0x3FAF] =	sst s3  }
0xc: {  	[smem:$0x3FB0] =	sst s4  }
0xd: {  	[smem:$0x3FB1] =	sst s5  }
0xe: {  	[smem:$0x3FB2] =	sst s6  }
0xf: {  	[smem:$0x3FB3] =	sst s7  }
0x10: {  	[smem:$0x3FB4] =	sst s8  }
0x11: {  	[smem:$0x3FB5] =	sst s9;
	s0 =	simm.s32 @!p0 $0x0  }
0x12: {  	s1 =	sld [smem:$0x3F9B];
	s0 =	simm.s32 @p0 $0x1  }
0x13: {  	[smem:$0x3FB6] =	sst s0;
	s0 =	simm.s32 @!p1 $0x0  }
0x14: {  	s2 =	sld [smem:$0x3F9A];
	s0 =	simm.s32 @p1 $0x1  }
0x15: {  	[smem:$0x3FB7] =	sst s0;
	s0 =	simm.s32 @!p2 $0x0  }
0x16: {  	s3 =	sld [smem:$0x3FDB];
	s0 =	simm.s32 @p2 $0x1  }
0x17: {  	s4 =	simm.s32 $0x1BF5;
	[smem:$0x3FB9] =	sst s0  }
0x18: {  	s0 =	sld [smem:$0x3F9C];
	_ =	swait.ge [sflag:s4], $0x0  }
0x19: {  	s7 =	sld [smem:$0x3F9D]  }
0x1a: {  	s8 =	sadd.s32 $0xFFFFE003, lr  }
0x1b: {  	s9 =	sadd.s32 $0xFFFFFEF7, lr;
	s5 =	simm.s32 $0xFFFFFFFF;
	p2 =	slt.u32 s8, $0xFFFFF086  }
0x1c: {  	p1 =	slt.u32 s9, $0xF7A;
	s5 =	simm.s32 @!p2 $0x0  }
0x1d: {  	s5 =	simm.s32 @p1 $0x1;
	p0 =	seq.s32 s7, s2  }
0x1e: {  	s7 =	smul.u32 @!p0 $0xF7A, s2;
	p2 =	seq.s32 @!p0 s5, $0x0  }
0x1f: {  	s9 =	smul.u32 $0xF7A, s1;
	s8 =	simm.s32 @!p0 $0x1BF5;
	p2 =	por !p2, p0  }
0x20: {  	[sflag:s8] =	ssyncset.s32 @!p0 $0xFFFFF086;
	s6 =	sadd.s32 @!p0 s3, s7;
	s7 =	simm.s32 @!p0 $0x108  }
0x21: {  	s3 =	sadd.s32 s3, s9;
	s6 =	sadd.s32 @!p0 $0x88, s6;
	s7 =	simm.s32 @p2 $0x1082  }
0x22: {  	[simem:s7], [sflag:s8] =	dma.local @!p0 [hbm:s6], $0xF7A  }
0x23: {  	s9 =	sor.u32 $0xD0000000, s2;
	s6 =	simm.s32 $0x108;
	_ =	swait.ge @!p0 [sflag:s8], $0x0  }
0x24: {  	s3 =	sadd.s32 $0x88, s3;
	s6 =	simm.s32 @!p1 $0x1082;
	[sflag:s4] =	ssyncset.s32 $0xFFFFF086  }
0x25: {  	[simem:s6], [sflag:s4] =	dma.local [hbm:s3], $0xF7A  }
0x26: {  	[smem:$0x3F9D] =	sst s1;
	(tag) =	ssettag s2;
	_ =	strace s9  }
0x27: {  	s1 =	sld [smem:$0x3FAD]  }
0x28: {  	s2 =	sld [smem:$0x3FAE]  }
0x29: {  	s4 =	sld [smem:$0x3FB0]  }
0x2a: {  	p0 =	seq.s32 s5, $0x0;
	s5 =	sld [smem:$0x3FB1]  }
0x2b: {  	s6 =	sld [smem:$0x3FB2]  }
0x2c: {  	s7 =	sld [smem:$0x3FB3]  }
0x2d: {  	s3 =	simm.s32 $0x108;
	s8 =	sld [smem:$0x3FB4]  }
0x2e: {  	s3 =	simm.s32 @!p0 $0x1082;
	s9 =	sld [smem:$0x3FB5]  }
0x2f: {  	lr =	sadd.s32 s0, s3;
	s0 =	sld [smem:$0x3FAC]  }
0x30: {  	s3 =	sld [smem:$0x3FAF]  }
0x31: {  	[smem:$0x3FB8] =	sst s10  }
0x32: {  	s10 =	sld [smem:$0x3FB6];
	_ =	sdelay $0x3  }
0x33: {  	p0 =	seq.s32 s10, $0x1;
	s10 =	sld [smem:$0x3FB8];
	_ =	sdelay $0x3  }
0x34: {  	[smem:$0x3FB8] =	sst s10  }
0x35: {  	s10 =	sld [smem:$0x3FB7];
	_ =	sdelay $0x3  }
0x36: {  	p1 =	seq.s32 s10, $0x1;
	s10 =	sld [smem:$0x3FB8];
	_ =	sdelay $0x3  }
0x37: {  	[smem:$0x3FB8] =	sst s10  }
0x38: {  	s10 =	sld [smem:$0x3FB9]  }
0x39: {  	_ = 	snop;
	(pc) =	sbr.ind lr, $3  }
0x3a: {  	_ = 	snop  }
0x3b: {  	_ = 	snop  }
0x3c: {  	p2 =	seq.s32 s10, $0x1;
	s10 =	sld [smem:$0x3FB8]  }
0x3d: {  	_ =	shalt  }
0x3e: {  	_ =	shalt  }
0x3f: {  	_ =	shalt  }
0x40: {  	_ =	shalt  }
0x41: {  	_ =	shalt  }
0x42: {  	_ =	shalt  }
0x43: {  	_ =	shalt  }
0x44: {  	_ =	shalt  }
0x45: {  	_ =	shalt  }
0x46: {  	_ =	shalt  }
0x47: {  	_ =	shalt  }
0x48: {  	_ =	shalt  }
0x49: {  	_ =	shalt  }
0x4a: {  	_ =	shalt  }
0x4b: {  	_ =	shalt  }
0x4c: {  	_ =	shalt  }
0x4d: {  	_ =	shalt  }
0x4e: {  	_ =	shalt  }
0x4f: {  	_ =	shalt  }
0x50: {  	_ =	shalt  }
0x51: {  	_ =	shalt  }
0x52: {  	_ =	shalt  }
0x53: {  	_ =	shalt  }
0x54: {  	_ =	shalt  }
0x55: {  	_ =	shalt  }
0x56: {  	_ =	shalt  }
0x57: {  	_ =	shalt  }
0x58: {  	_ =	shalt  }
0x59: {  	_ =	shalt  }
0x5a: {  	_ =	shalt  }
0x5b: {  	_ =	shalt  }
0x5c: {  	_ =	shalt  }
0x5d: {  	_ =	shalt  }
0x5e: {  	_ =	shalt  }
0x5f: {  	_ =	shalt  }
0x60: {  	_ =	shalt  }
0x61: {  	_ =	shalt  }
0x62: {  	_ =	shalt  }
0x63: {  	_ =	shalt  }
0x64: {  	_ =	shalt  }
0x65: {  	_ =	shalt  }
0x66: {  	_ =	shalt  }
0x67: {  	_ =	shalt  }
0x68: {  	_ =	shalt  }
0x69: {  	_ =	shalt  }
0x6a: {  	_ =	shalt  }
0x6b: {  	_ =	shalt  }
0x6c: {  	_ =	shalt  }
0x6d: {  	_ =	shalt  }
0x6e: {  	_ =	shalt  }
0x6f: {  	_ =	shalt  }
0x70: {  	_ =	shalt  }
0x71: {  	_ =	shalt  }
0x72: {  	_ =	shalt  }
0x73: {  	_ =	shalt  }
0x74: {  	_ =	shalt  }
0x75: {  	_ =	shalt  }
0x76: {  	_ =	shalt  }
0x77: {  	_ =	shalt  }
0x78: {  	_ =	shalt  }
0x79: {  	_ =	shalt  }
0x7a: {  	_ =	shalt  }
0x7b: {  	_ =	shalt  }
0x7c: {  	_ =	shalt  }
0x7d: {  	_ =	shalt  }
0x7e: {  	_ =	shalt  }
0x7f: {  	_ =	shalt  }
0x80: {  	_ =	shalt  }
0x81: {  	_ =	shalt  }
0x82: {  	_ =	shalt  }
0x83: {  	_ =	shalt  }
0x84: {  	_ =	shalt  }
0x85: {  	_ =	shalt  }
0x86: {  	_ =	shalt  }
0x87: {  	_ =	shalt  }
.Lfunc_end0:
.L_simem_size_0:
called_computation.1_lowered:
.L_overlay_start_0:
0x88: {  	s2 =	sld [smem:$0x3FD9]  }
0x89: {  	s3 =	sld [smem:$0x3FFE];
	_ =	sdelay $0x1  }
0x8a: {  	s1 =	srdreg.scid  }
0x8b: {  	s0 =	sand.u32 $0x1, s1  }
0x8c: {  	s16 =	sshll.u32 s0, $0xA;
	s2 =	sadd.s32 s3, s2  }
0x8d: {  	s2 =	sadd.s32 s2, s16  }
0x8e: {  	[smem:$0x3FC4] =	sst s2  }
0x8f: {  	_ = 	snop  }
0x90: {  	(tm) =	ssettm $0x1  }
0x91: {  	s17 =	sld [smem:$0x3FFB];
	_ =	sdelay $0x3  }
0x92: {  	_ =	strace s17  }
0x93: {  	s2 =	sld [smem:$0x3FFC];
	_ =	sdelay $0x3  }
0x94: {  	_ =	strace s2  }
0x95: {  	s2 =	sld [smem:$0x3FFD];
	_ =	sdelay $0x3  }
0x96: {  	_ =	strace s2  }
0x97: {  	_ =	strace $0x8FFFFFFF  }
0x98: {  	s18 =	sld [smem:$0x3FDB];
	_ =	sdelay $0x1  }
0x99: {  	s19 =	simm.s32 $_scs_section_size  }
0x9a: {  	s4 =	simm.s32 $_size__tile_overlayer_lowered;
	s5 =	simm.s32 $_tile_overlayer_lowered  }
0x9b: {  	s22 =	simm.s32 $0x1BFF;
	s21 =	sshll.u32 s5, $0x1;
	s2 =	sadd.s32 s19, s18  }
0x9c: {  	s6 =	simm.s32 $0x0;
	s20 =	sshll.u32 s4, $0x1;
	s4 =	sadd.s32 s21, s2  }
0x9d: {  	[timem:s6], [sflag:s22] =	dma.local [hbm:s4], s20  }
0x9e: {  	_ =	swait.ge [sflag:s22], s20  }
0x9f: {  	s3 =	ssub.s32 $0x0, s20;
	[sflag:s22] =	ssyncset.done $0x0  }
0xa0: {  	[sflag:s22] =	ssyncadd.s32 s3;
	_ =	sdelay $0x1  }
0xa1: {  	s23 =	simm.s32 $0x1B8B  }
0xa2: {  	_ =	swait.ge [sflag:s23], $0x1  }
0xa3: {  	[sflag:s23] =	ssyncset.done $0x0  }
0xa4: {  	s25 =	simm.s32 $0x1B8E;
	s24 =	sld [smem:$0x3FFE];
	[sflag:s23] =	ssyncadd.s32 $0xFFFFFFFF  }
0xa5: {  	s26 =	simm.s32 $execute0_lowered;
	[smem:$0x3FD2] =	sst s25  }
0xa6: {  	s4 =	sshll.u32 s26, $0x1;
	_ =	strace $0x80000049;
	[dreg:$0x1] =	wrdreg $0xFFFFFFFF  }
0xa7: {  	s28 =	simm.s32 $_size_execute0_lowered;
	s2 =	sadd.s32 s2, s4;
	[dreg:$0x0] =	wrdreg $0x0  }
0xa8: {  	s4 =	sshll.u32 s28, $0x1;
	[dreg:$0x2] =	wrdreg s2  }
0xa9: {  	[dreg:$0x3] =	wrdreg s4  }
0xaa: {  	[dreg:$0x4] =	wrdreg $0xC0  }
0xab: {  	_ =	task [dreg:s6], $0x5FFFF  }
0xac: {  	[dreg:$0x1] =	wrdreg $0xFFFFFFFF  }
0xad: {  	[dreg:$0x0] =	wrdreg $0x60  }
0xae: {  	[dreg:$0x2] =	wrdreg s24  }
0xaf: {  	[dreg:$0x3] =	wrdreg $0x9  }
0xb0: {  	_ =	task.clear_ibuf [dreg:s6], $0x4FFFF;
	_ =	strace $0x90000049  }
0xb1: {  	s29 =	simm.s32 $0x9;
	_ =	strace $0x8000004B  }
0xb2: {  	_ =	swait.ge [sflag:s29], $0x1  }
0xb3: {  	[sflag:s29] =	ssyncadd.s32 $0xFFFFFFFF  }
0xb4: {  	_ =	strace $0x9000004B  }
0xb5: {  	_ =	sfence  }
0xb6: {  	s30 =	sld [smem:$0x0];
	_ =	sdelay $0x2  }
0xb7: {  	s31 =	sshll.u32 s1, $0xD;
	s1 =	sshrl.u32 s1, $0x2  }
0xb8: {  	s3 =	sand.u32 $0x4000, s31;
	s1 =	sadd.s32 s1, s30  }
0xb9: {  	s0 =	sor.u32 s3, s0;
	s1 =	sshll.u32 s1, $0x11  }
0xba: {  	s0 =	sor.u32 s1, s0  }
0xbb: {  	s0 =	sadd.s32 $0x8F2B, s0  }
0xbc: {  	[sflag:s0] =	ssyncadd.remote.s32 $0x1  }
0xbd: {  	_ =	sfence.sel $0xFFFF  }
0xbe: {  	[dreg:$0x0] =	wrdreg $0xFFFFFFFF;
	(pc) =	sbr.abs _section_cstart, $3  }
0xbf: {  	[dreg:$0x1] =	wrdreg $0xFFFFFFFF  }
0xc0: {  	_ =	task.clear_ibuf [dreg:s6], $0x2FFFF;
	_ =	strace $0x9FFFFFFF  }
0xc1: {  	(tm) =	ssettm $0x7FFFFFFF  }
tec
execute0_lowered:
.L_overlay_start_1:
0x0: {  	(tag) =	ssettag $0x1  }
0x1: {  	s1 =	srdreg.scid  }
0x2: {  	s0 =	stileid.u32;
	s5 =	rddreg [dreg:$0x0];
	s6 =	sand.u32 $0x1, s1  }
0x3: {  	s2 =	simm.s32 $0x0;
	s3 =	sshll.u32 s0, $0xB;
	s4 =	sshll.u32 s6, $0xA  }
0x4: {  	[smem:$0x7FF] =	sst s2;
	s3 =	sor.u32 s4, s3  }
0x5: {  	s1 =	rddreg [dreg:$0x1];
	_ =	strace $0x8000004A;
	s8 =	sadd.s32 s3, s5  }
0x6: {  	s9 =	ssub.s32 $0x2, s6;
	s3 =	simm.s32 $0x2;
	s4 =	sadd.s32 $0x280400, s8  }
0x7: {  	[tilespmem:s2], [sflag:$0x2] =	stream.linear.gather [hbm4b:s4+s2], $0x2000, $0x38;
	[tilespmem:$0x4000] =	vst v63  }
0x8: {  	s7 =	simm.s32 $0x1;
	s10 =	sshrl.u32 s9, $0x1;
	_ =	swait.ge [sflag:s3], $0x2000  }
0x9: {  	s6 =	simm.s32 $0x2000;
	s9 =	ssub.s32 s9, s10;
	[sflag:s3] =	ssyncset.done $0x0  }
0xa: {  	s5 =	sadd.s32 $0x400, s5;
	s9 =	smax.u32 s9, $0x1;
	[sflag:s3] =	ssyncadd.s32 $0xFFFFE000  }
0xb: {  	[tilespmem:s6], [sflag:$0x1] =	stream.indirect.gather [hbm4b:s5+s6], $0x1, s2, s6, $0xb8;
	[tilespmem:$0x4000] =	vst v63  }
0xc: {  	p0 =	sne.s32 s9, $0x1;
	_ =	swait.ge [sflag:s7], $0x2000  }
.Ltmp0:
0xd: {  	[sflag:s7] =	ssyncset.done $0x0;
	(pc) =	sbr.rel @!p0 .LBB2_2-.Ltmp0, $4  }
0xe: {  	s8 =	sadd.s32 $0x288400, s8;
	[sflag:s7] =	ssyncadd.s32 $0xFFFFE000  }
0xf: {  	[hbm4b:s8+s2] =	stream.linear.scatter [tilespmem:s6], [sflag:$0x2], $0x2000, $0x38;
	[tilespmem:$0x4000] =	vst v63  }
0x10: {  	_ =	swait.ge [sflag:s3], $0x2000  }
0x11: {  	s9 =	sadd.s32 $0xFFFFFFFF, s9;
	[sflag:s3] =	ssyncset.done $0x0  }
.LBB2_1:
0x12: {  	p0 =	sne.s32 s9, $0x1;
	s9 =	sadd.s32 $0xFFFFFFFF, s9;
	[sflag:s3] =	ssyncadd.s32 $0xFFFFE000  }
0x13: {  	[tilespmem:s2], [sflag:$0x2] =	stream.linear.gather [hbm4b:s4+s2], $0x2000, $0x38;
	[tilespmem:$0x4000] =	vst v63  }
0x14: {  	_ =	swait.ge [sflag:s3], $0x2000  }
0x15: {  	[sflag:s3] =	ssyncset.done $0x0  }
0x16: {  	[sflag:s3] =	ssyncadd.s32 $0xFFFFE000  }
0x17: {  	[tilespmem:s6], [sflag:$0x1] =	stream.indirect.gather [hbm4b:s5+s6], $0x1, s2, s6, $0xb8;
	[tilespmem:$0x4000] =	vst v63  }
0x18: {  	_ =	swait.ge [sflag:s7], $0x2000  }
.Ltmp1:
0x19: {  	[sflag:s7] =	ssyncset.done $0x0;
	(pc) =	sbr.rel @p0 .LBB2_1-.Ltmp1, $4  }
0x1a: {  	[sflag:s7] =	ssyncadd.s32 $0xFFFFE000  }
0x1b: {  	[hbm4b:s8+s2] =	stream.linear.scatter [tilespmem:s6], [sflag:$0x2], $0x2000, $0x38;
	[tilespmem:$0x4000] =	vst v63  }
0x1c: {  	_ =	swait.ge [sflag:s3], $0x2000  }
0x1d: {  	[sflag:s3] =	ssyncset.done $0x0  }
.LBB2_2:
0x1e: {  	[sflag:s3] =	ssyncadd.s32 $0xFFFFE000  }
0x1f: {  	_ =	sfence.sel $0x180000  }
0x20: {  	[bflag:$0x0] =	sbarrier.arrive $0xFFFF  }
0x21: {  	p0 =	sne.s32 s0, $0x0;
	_ =	strace $0x9000004A  }
0x22: {  	s0 =	sadd.s32 @!p0 $0x100000, s1;
	[bflag:$0x2] =	sbarrier.arrive $0xFFFF  }
0x23: {  	[sflag:s0] =	ssyncadd.tile.s32 @!p0 $0x1;
	_ =	shalt  }
.Lfunc_end2:
_tile_overlayer_lowered:
.L_overlay_start_2:
0x24: {  	(tag) =	ssettag $0x2  }
0x25: {  	s0 =	rddreg [dreg:$0x0];
	s2 =	stileid.u32  }
0x26: {  	s1 =	rddreg [dreg:$0x1];
	p0 =	sne.s32 s2, $0x0  }
0x27: {  	s3 =	rddreg [dreg:$0x2];
	[bflag:$0x3] =	sbarrier.arrive $0xFFFF;
	s2 =	simm.s32 @!p0 $0x1C02  }
0x28: {  	[timem:s3], [sflag:s2] =	dma.local @!p0 [hbm:s0], s1  }
0x29: {  	s0 =	simm.s32 @!p0 $0x2  }
0x2a: {  	_ =	swait.ge @!p0 [sflag:s0], s1  }
0x2b: {  	s1 =	ssub.s32 @!p0 $0x0, s1;
	[sflag:s0] =	ssyncset.done @!p0 $0x0  }
0x2c: {  	[sflag:s0] =	ssyncadd.s32 @!p0 s1  }
0x2d: {  	[bflag:$0x3] =	sbarrier.arrive $0xFFFF  }
0x2e: {  	_ =	shalt  }

// kernel: sparse-core-data-format-call.cloned.1.call-start
scs
called_computation_lowered:
.L_overlay_start_0:
0x0: {  	s2 =	sld [smem:$0x3FD9]  }
0x1: {  	s3 =	sld [smem:$0x3FFE];
	_ =	sdelay $0x1  }
0x2: {  	s1 =	srdreg.scid  }
0x3: {  	s0 =	sand.u32 $0x1, s1  }
0x4: {  	s18 =	sshll.u32 s0, $0xA;
	s2 =	sadd.s32 s3, s2  }
0x5: {  	s2 =	sadd.s32 s2, s18  }
0x6: {  	[smem:$0x3FC4] =	sst s2  }
0x7: {  	_ = 	snop  }
0x8: {  	s2 =	sld [smem:$0x3FC8];
	(tm) =	ssettm $0x1  }
0x9: {  	s19 =	sld [smem:$0x3FFB];
	_ =	sdelay $0x3  }
0xa: {  	_ =	strace s19  }
0xb: {  	s3 =	sld [smem:$0x3FFC];
	_ =	sdelay $0x3  }
0xc: {  	_ =	strace s3  }
0xd: {  	s3 =	sld [smem:$0x3FFD];
	_ =	sdelay $0x3  }
0xe: {  	_ =	strace s3  }
0xf: {  	_ =	strace $0x8FFFFFFF  }
0x10: {  	s20 =	sld [smem:$0x3FDB];
	_ =	sdelay $0x1  }
0x11: {  	s4 =	simm.s32 $_scs_section_size  }
0x12: {  	s5 =	simm.s32 $_size__tile_overlayer_lowered;
	s6 =	simm.s32 $_tile_overlayer_lowered  }
0x13: {  	s23 =	simm.s32 $0x1BFF;
	s22 =	sshll.u32 s6, $0x1;
	s3 =	sadd.s32 s4, s20  }
0x14: {  	s7 =	simm.s32 $0x0;
	s21 =	sshll.u32 s5, $0x1;
	s5 =	sadd.s32 s22, s3  }
0x15: {  	[timem:s7], [sflag:s23] =	dma.local [hbm:s5], s21  }
0x16: {  	_ =	swait.ge [sflag:s23], s21  }
0x17: {  	s4 =	ssub.s32 $0x0, s21;
	[sflag:s23] =	ssyncset.done $0x0  }
0x18: {  	[sflag:s23] =	ssyncadd.s32 s4;
	_ =	sdelay $0x1  }
0x19: {  	s24 =	simm.s32 $0x1B8B  }
0x1a: {  	_ =	swait.ge [sflag:s24], $0x1  }
0x1b: {  	[sflag:s24] =	ssyncset.done $0x0  }
0x1c: {  	s26 =	simm.s32 $0x1B8E;
	s25 =	sld [smem:$0x3FFE];
	[sflag:s24] =	ssyncadd.s32 $0xFFFFFFFF  }
0x1d: {  	s27 =	simm.s32 $execute0_lowered;
	[smem:$0x3FD2] =	sst s26  }
0x1e: {  	s5 =	sshll.u32 s27, $0x1;
	_ =	strace $0x80000046;
	[dreg:$0x1] =	wrdreg $0xFFFFFFFF  }
0x1f: {  	s28 =	simm.s32 $_size_execute0_lowered;
	s3 =	sadd.s32 s3, s5;
	[dreg:$0x0] =	wrdreg $0x0  }
0x20: {  	s5 =	sshll.u32 s28, $0x1;
	[dreg:$0x2] =	wrdreg s3  }
0x21: {  	[dreg:$0x3] =	wrdreg s5  }
0x22: {  	[dreg:$0x4] =	wrdreg $0xC0  }
0x23: {  	_ =	task [dreg:s7], $0x5FFFF  }
0x24: {  	[dreg:$0x1] =	wrdreg $0xFFFFFFFF  }
0x25: {  	[dreg:$0x0] =	wrdreg $0x60  }
0x26: {  	[dreg:$0x2] =	wrdreg s2  }
0x27: {  	[dreg:$0x3] =	wrdreg s25  }
0x28: {  	[dreg:$0x4] =	wrdreg $0x9  }
0x29: {  	_ =	task.clear_ibuf [dreg:s7], $0x5FFFF;
	_ =	strace $0x90000046  }
0x2a: {  	s29 =	simm.s32 $0x9;
	_ =	strace $0x80000048  }
0x2b: {  	_ =	swait.ge [sflag:s29], $0x1  }
0x2c: {  	[sflag:s29] =	ssyncadd.s32 $0xFFFFFFFF  }
0x2d: {  	_ =	strace $0x90000048  }
0x2e: {  	_ =	sfence  }
0x2f: {  	s30 =	sld [smem:$0x0];
	_ =	sdelay $0x2  }
0x30: {  	s31 =	sshll.u32 s1, $0xD;
	s1 =	sshrl.u32 s1, $0x2  }
0x31: {  	s3 =	sand.u32 $0x4000, s31;
	s1 =	sadd.s32 s1, s30  }
0x32: {  	s0 =	sor.u32 s3, s0;
	s1 =	sshll.u32 s1, $0x11  }
0x33: {  	s0 =	sor.u32 s1, s0  }
0x34: {  	s0 =	sadd.s32 $0x8F2B, s0  }
0x35: {  	[sflag:s0] =	ssyncadd.remote.s32 $0x1  }
0x36: {  	_ =	sfence.sel $0xFFFF  }
0x37: {  	[dreg:$0x0] =	wrdreg $0xFFFFFFFF;
	(pc) =	sbr.abs _section_cstart, $3  }
0x38: {  	[dreg:$0x1] =	wrdreg $0xFFFFFFFF  }
0x39: {  	_ =	task.clear_ibuf [dreg:s7], $0x2FFFF;
	_ =	strace $0x9FFFFFFF  }
0x3a: {  	(tm) =	ssettm $0x7FFFFFFF  }
0x3b: {  	_ =	shalt  }
tec
execute0_lowered:
.L_overlay_start_1:
0x0: {  	(tag) =	ssettag $0x1  }
0x1: {  	s2 =	rddreg [dreg:$0x0]  }
0x2: {  	s1 =	rddreg [dreg:$0x1]  }
0x3: {  	s0 =	rddreg [dreg:$0x2];
	_ =	strace $0x80000047;
	s4 =	srdreg.scid  }
0x4: {  	s6 =	simm.s32 $0x2;
	s11 =	simm.s32 $0x0;
	p0 =	por $0x0, $0x0  }
.Ltmp0:
0x5: {  	s7 =	simm.s32 $0x4000;
	s12 =	simm.s32 $0x0;
	(pc) =	sbr.rel .LBB1_1-.Ltmp0, $4  }
0x6: {  	s9 =	simm.s32 $0x0;
	s3 =	sadd.s32 $0x400, s1;
	s5 =	sshll.u32 s4, $0x4  }
0x7: {  	s1 =	stileid.u32;
	s4 =	simm.s32 $0x1;
	s5 =	sand.u32 $0x10, s5  }
0x8: {  	s8 =	simm.s32 $0x0;
	[sflag:s4] =	ssyncpa.u1 $0x0;
	s5 =	sor.u32 s1, s5  }
0x9: {  	[sflag:s6] =	ssyncpa.u1 $0x0;
	s6 =	simm.s32 $0x800;
	s10 =	smov.u32 s5  }
.LBB1_7:
0xa: {  	s13 =	sadd.s32 $0x10, s9  }
0xb: {  	s11 =	sadd.s32 $0x20, s10;
	s15 =	smov.u32 s10;
	p2 =	sgt.s32 s13, $0x7F  }
0xc: {  	p1 =	slt.u32 s8, $0x2;
	s15 =	smov.u32 @p2 s11  }
0xd: {  	s8 =	sadd.s32 $0x1, s8;
	s13 =	simm.s32 @p2 $0x0;
	p2 =	sgt.s32 s15, $0x9F  }
0xe: {  	s15 =	smov.u32 @p2 s5;
	p2 =	sne.s32 s8, $0x2A  }
.Ltmp1:
0xf: {  	_ = 	snop;
	(pc) =	sbr.rel @!p2 .LBB1_8-.Ltmp1, $4  }
0x10: {  	s14 =	simm.s32 @!p1 $0x2  }
0x11: {  	s12 =	smov.u32 s10;
	_ =	swait.ge @!p1 [sflag:s14], $0x4000  }
0x12: {  	p0 =	por !p0, !p0;
	s11 =	smov.u32 s9;
	[sflag:s14] =	ssyncset.done @!p1 $0x0  }
0x13: {  	s9 =	smov.u32 s13;
	[sflag:s14] =	ssyncadd.s32 @!p1 $0xFFFFC000;
	s10 =	smov.u32 s15  }
.LBB1_1:
0x14: {  	p1 =	sgt.u32 s8, $0x27  }
0x15: {  	s13 =	sxor.u32 @!p1 $0xFFFFFFFF, s8;
	s14 =	sshll.u32 @!p1 s10, $0xE  }
0x16: {  	s15 =	sshll.u32 @!p1 s9, $0x7;
	s13 =	sshll.u32 @!p1 s13, $0xE;
	s14 =	sadd.s32 @!p1 s2, s14  }
0x17: {  	s13 =	sand.u32 @!p1 $0x4000, s13;
	s14 =	sadd.s32 @!p1 s15, s14;
	s15 =	simm.s32 @!p1 $0x0  }
0x18: {  	[tilespmem:s13], [sflag:$0x1] =	stream.linear.gather @!p1 [hbm4b:s14+s15], $0x4000, $0x38;
	[tilespmem:$0x10000] =	vst v63  }
0x19: {  	p1 =	seq.s32 s8, $0x0  }
0x1a: {  	p2 =	seq.s32 @!p1 s8, $0x29  }
0x1b: {  	p1 =	por p1, p2  }
.Ltmp2:
0x1c: {  	_ = 	snop;
	(pc) =	sbr.rel @p1 .LBB1_7-.Ltmp2, $1  }
0x1d: {  	_ =	sdelay $0x3  }
0x1e: {  	s13 =	simm.s32 $0x1;
	_ =	swait.ge [sflag:s4], $0x4000;
	s16 =	sshll.u32 s8, $0xE  }
0x1f: {  	s13 =	simm.s32 @!p0 $0x0;
	[sflag:s4] =	ssyncset.done $0x0;
	s31 =	sand.u32 $0x4000, s16  }
0x20: {  	s16 =	simm.s32 $0x0;
	s14 =	sshll.u32 s13, $0xE;
	[sflag:s4] =	ssyncadd.s32 $0xFFFFC000  }
0x21: {  	s13 =	sor.u32 $0x8040, s14;
	s15 =	sor.u32 $0x40, s14;
	s14 =	sor.u32 $0x8000, s31  }
.LBB1_3:
0x22: {  	v0 =	vmov s15;
	_ =	sdelay $0x3  }
0x23: {  	s18 =	simm.s32 $0x0  }
0x24: {  	v6 =	vld.idx.msk [tilespmem:v0+s18+$0x30 ss:$0x1], $0xffff  }
0x25: {  	v7 =	vld.idx.msk [tilespmem:v0+s18+$0xFFFFFFC0 ss:$0x1], $0xffff  }
0x26: {  	v5 =	vld.idx.msk [tilespmem:v0+s18+$0xFFFFFFD0 ss:$0x1], $0xffff  }
0x27: {  	v4 =	vld.idx.msk [tilespmem:v0+s18+$0xFFFFFFE0 ss:$0x1], $0xffff  }
0x28: {  	v3 =	vld.idx.msk [tilespmem:v0+s18+$0xFFFFFFF0 ss:$0x1], $0xffff  }
0x29: {  	v1 =	vld.idx.msk [tilespmem:v0+s18+$0x0 ss:$0x1], $0xffff  }
0x2a: {  	v2 =	vld.idx.msk [tilespmem:v0+s18+$0x10 ss:$0x1], $0xffff;
	[tilespmem:s13+$0x30] =	vst v6  }
0x2b: {  	s17 =	simm.s32 $0x80;
	s19 =	simm.s32 $0x400;
	[tilespmem:s13+$0xFFFFFFC0] =	vst v7;
	v6 =	vld.idx.msk [tilespmem:v0+s18+$0x20 ss:$0x1], $0xffff;
	s18 =	smov.u32 s13  }
.LBB1_4:
0x2c: {  	p1 =	sne.s32 s19, $0xE00;
	v7 =	vld.idx.msk [tilespmem:v0+s17+$0x30 ss:$0x1], $0xffff;
	[tilespmem:s18+$0xFFFFFFD0] =	vst v5  }
0x2d: {  	v8 =	vld.idx.msk [tilespmem:v0+s17+$0xFFFFFFC0 ss:$0x1], $0xffff;
	[tilespmem:s18+$0xFFFFFFE0] =	vst v4  }
0x2e: {  	v5 =	vld.idx.msk [tilespmem:v0+s17+$0xFFFFFFD0 ss:$0x1], $0xffff;
	[tilespmem:s18+$0xFFFFFFF0] =	vst v3  }
.Ltmp3:
0x2f: {  	v4 =	vld.idx.msk [tilespmem:v0+s17+$0xFFFFFFE0 ss:$0x1], $0xffff;
	[tilespmem:s18+$0x0] =	vst v1;
	(pc) =	sbr.rel @p1 .LBB1_4-.Ltmp3, $4  }
0x30: {  	v3 =	vld.idx.msk [tilespmem:v0+s17+$0xFFFFFFF0 ss:$0x1], $0xffff;
	[tilespmem:s18+$0x10] =	vst v2  }
0x31: {  	v1 =	vld.idx.msk [tilespmem:v0+s17+$0x0 ss:$0x1], $0xffff;
	[tilespmem:s18+$0x20] =	vst v6;
	s18 =	sadd.s32 $0x800, s18  }
0x32: {  	v2 =	vld.idx.msk [tilespmem:v0+s17+$0x10 ss:$0x1], $0xffff;
	[tilespmem:s18+$0x30] =	vst v7  }
0x33: {  	[tilespmem:s18+$0xFFFFFFC0] =	vst v8;
	v6 =	vld.idx.msk [tilespmem:v0+s17+$0x20 ss:$0x1], $0xffff;
	s17 =	sshra.s32 s19, $0x2;
	s19 =	sadd.s32 $0x200, s19  }
0x34: {  	_ =	sdelay $0x2  }
0x35: {  	[tilespmem:s18+$0xFFFFFFD0] =	vst v5  }
0x36: {  	v56 =	vld.idx.msk [tilespmem:v0+s17+$0x30 ss:$0x1], $0xffff;
	[tilespmem:s18+$0xFFFFFFE0] =	vst v4  }
0x37: {  	v57 =	vld.idx.msk [tilespmem:v0+s17+$0xFFFFFFC0 ss:$0x1], $0xffff;
	[tilespmem:s18+$0xFFFFFFF0] =	vst v3  }
0x38: {  	v58 =	vld.idx.msk [tilespmem:v0+s17+$0xFFFFFFD0 ss:$0x1], $0xffff;
	[tilespmem:s18+$0x0] =	vst v1  }
0x39: {  	v59 =	vld.idx.msk [tilespmem:v0+s17+$0xFFFFFFE0 ss:$0x1], $0xffff;
	[tilespmem:s18+$0x10] =	vst v2  }
0x3a: {  	v60 =	vld.idx.msk [tilespmem:v0+s17+$0xFFFFFFF0 ss:$0x1], $0xffff;
	s31 =	sadd.s32 $0x800, s18;
	[tilespmem:s18+$0x20] =	vst v6  }
0x3b: {  	v61 =	vld.idx.msk [tilespmem:v0+s17+$0x0 ss:$0x1], $0xffff;
	[tilespmem:s31+$0x30] =	vst v56  }
0x3c: {  	v62 =	vld.idx.msk [tilespmem:v0+s17+$0x10 ss:$0x1], $0xffff;
	s16 =	sadd.s32 $0x1, s16;
	[tilespmem:s31+$0xFFFFFFC0] =	vst v57  }
0x3d: {  	v63 =	vld.idx.msk [tilespmem:v0+s17+$0x20 ss:$0x1], $0xffff;
	p1 =	sne.s32 s16, $0x10;
	[tilespmem:s31+$0xFFFFFFD0] =	vst v58  }
.Ltmp4:
0x3e: {  	[tilespmem:s31+$0xFFFFFFE0] =	vst v59;
	(pc) =	sbr.rel @p1 .LBB1_3-.Ltmp4, $4  }
0x3f: {  	[tilespmem:s31+$0xFFFFFFF0] =	vst v60  }
0x40: {  	[tilespmem:s31+$0x0] =	vst v61  }
0x41: {  	[tilespmem:s31+$0x10] =	vst v62  }
0x42: {  	s13 =	sadd.s32 $0x80, s13;
	s15 =	sadd.s32 $0x400, s15;
	[tilespmem:s31+$0x20] =	vst v63  }
.Ltmp5:
0x43: {  	(pc) =	sbr.rel .LBB1_7-.Ltmp5, $4  }
0x44: {  	s12 =	sshll.u32 s12, $0xE;
	s11 =	sshll.u32 s11, $0x4  }
0x45: {  	s11 =	sand.u32 $0x7F0, s11;
	s12 =	sadd.s32 s3, s12  }
0x46: {  	s11 =	sadd.s32 s11, s12  }
0x47: {  	[hbm4b:s11+s6] =	stream.strided.scatter [tilespmem:s14], [sflag:$0x2], $0x4000, s7, s6, $0x38;
	[tilespmem:$0x10000] =	vst v63  }
.LBB1_8:
0x48: {  	_ =	sfence.sel $0x180000  }
0x49: {  	s2 =	simm.s32 $0x1;
	[bflag:$0x0] =	sbarrier.arrive $0xFFFF  }
0x4a: {  	s31 =	simm.s32 $0x2;
	[sflag:s2] =	ssyncpa.u1 $0x1  }
0x4b: {  	[sflag:s31] =	ssyncpa.u1 $0x1  }
0x4c: {  	p0 =	sne.s32 s1, $0x0;
	_ =	strace $0x90000047  }
0x4d: {  	s0 =	sadd.s32 @!p0 $0x100000, s0;
	[bflag:$0x2] =	sbarrier.arrive $0xFFFF  }
0x4e: {  	[sflag:s0] =	ssyncadd.tile.s32 @!p0 $0x1;
	_ =	shalt  }
.Lfunc_end1:
_tile_overlayer_lowered:
.L_overlay_start_2:
0x4f: {  	(tag) =	ssettag $0x2  }
0x50: {  	s0 =	rddreg [dreg:$0x0];
	s2 =	stileid.u32  }
0x51: {  	s1 =	rddreg [dreg:$0x1];
	p0 =	sne.s32 s2, $0x0  }
0x52: {  	s3 =	rddreg [dreg:$0x2];
	[bflag:$0x3] =	sbarrier.arrive $0xFFFF;
	s2 =	simm.s32 @!p0 $0x1C01  }
0x53: {  	[timem:s3], [sflag:s2] =	dma.local @!p0 [hbm:s0], s1  }
0x54: {  	s0 =	simm.s32 @!p0 $0x1  }
0x55: {  	_ =	swait.ge @!p0 [sflag:s0], s1  }
0x56: {  	s1 =	ssub.s32 @!p0 $0x0, s1;
	[sflag:s0] =	ssyncset.done @!p0 $0x0  }
0x57: {  	[sflag:s0] =	ssyncadd.s32 @!p0 s1  }
0x58: {  	[bflag:$0x3] =	sbarrier.arrive $0xFFFF  }
0x59: {  	_ =	shalt  }

</sc_bundles>
